<compile_context>
chip_gen: v7x
topology: tpu7x:2x2x1
jax: 0.10.2.dev20260603
libtpu: 0.0.44.dev20260713+nightly
codegen_flags: <defaults>
</compile_context>

<pallas_src>
import functools

import jax
import jax.numpy as jnp
from jax import lax
from jax.experimental import pallas as pl
from jax.experimental.pallas import tpu as pltpu
from jax.experimental.pallas import tpu_sc as plsc

N_EM = 1024
IMG = 1024
WPSF = 64
MARGIN = 34
IM_SIZE = 1092
NC = 2
NS = 16
NT = NC * NS
BAND = IMG // NT
L = 16

_OFF = IM_SIZE / 2.0 - WPSF / 2.0 - MARGIN


def _sc_body(lx_hbm, ly_hbm, z_hbm, nph_hbm, zeros_hbm, out_hbm,
             lx_v, ly_v, z_v, nph_v,
             r0_v, c0_v, rs_v, cs_v, ninv_v, wl_v, vscr, uscr, band, dma_sem):
    wid = lax.axis_index("s") * NC + lax.axis_index("c")
    band_lo = wid * BAND

    zcopy = pltpu.async_copy(zeros_hbm, band, dma_sem)

    pltpu.sync_copy(lx_hbm, lx_v)
    pltpu.sync_copy(ly_hbm, ly_v)
    pltpu.sync_copy(z_hbm, z_v)
    pltpu.sync_copy(nph_hbm, nph_v)

    iota = lax.iota(jnp.int32, L)
    iota_f = iota.astype(jnp.float32)

    def params_body(k, cnt):
        idx = k + iota
        xv = plsc.load_gather(lx_v, [idx])
        yv = plsc.load_gather(ly_v, [idx])
        zv = plsc.load_gather(z_v, [idx])
        sig = 1.5 + 3.0 * jnp.abs(zv)
        ninv = -1.0 / (2.0 * sig * sig)
        r_f = yv + _OFF
        c_f = xv + _OFF
        r0 = r_f.astype(jnp.int32)
        c0 = c_f.astype(jnp.int32)
        plsc.store_scatter(r0_v, [idx], r0)
        plsc.store_scatter(c0_v, [idx], c0)
        plsc.store_scatter(rs_v, [idx], r_f - r0.astype(jnp.float32))
        plsc.store_scatter(cs_v, [idx], c_f - c0.astype(jnp.float32))
        plsc.store_scatter(ninv_v, [idx], ninv)
        hit = (r0 < band_lo + BAND) & (r0 + WPSF > band_lo)
        plsc.store_compressed(wl_v.at[pl.ds(cnt, L)], idx, mask=hit)
        return cnt + plsc.all_reduce_population_count(hit)[0]

    n_work = plsc.parallel_loop(0, N_EM, L, unroll=2,
                                carry=jnp.int32(0))(params_body)

    zcopy.wait()

    uscr[pl.ds(0, L)] = jnp.zeros((L,), jnp.float32)

    def emitter_body(k, _):
        eidx = plsc.load_gather(wl_v, [jnp.full((L,), k, jnp.int32)])
        r0 = plsc.load_gather(r0_v, [eidx])[0]
        c0 = plsc.load_gather(c0_v, [eidx])[0]
        rs = plsc.load_gather(rs_v, [eidx])
        cs = plsc.load_gather(cs_v, [eidx])
        ninv = plsc.load_gather(ninv_v, [eidx])
        nph = plsc.load_gather(nph_v, [eidx])

        us = []
        for j in range(WPSF // L):
            g = iota_f + (16.0 * j - 31.5)
            u = jnp.exp(g * g * ninv)
            uscr[pl.ds(L + j * L, L)] = u
            us.append(u)
        um1s = [uscr[pl.ds(L - 1 + j * L, L)] for j in range(WPSF // L)]
        su = jnp.full((L,), jnp.sum(us[0] + us[1] + us[2] + us[3]),
                      jnp.float32)
        sm = su - jnp.full((L,), us[3][15], jnp.float32)
        sv = (1.0 - rs) * su + rs * sm
        sw = (1.0 - cs) * su + cs * sm
        scale = nph / (sv * sw)
        ws = []
        for j in range(WPSF // L):
            ws.append(((1.0 - cs) * us[j] + cs * um1s[j]) * scale)
            vj = (1.0 - rs) * us[j] + rs * um1s[j]
            vscr[pl.ds(j * L, L)] = vj

        lo = jnp.maximum(r0, band_lo)
        hi = jnp.minimum(r0 + WPSF, band_lo + BAND)
        cv = [c0 + j * L + iota for j in range(WPSF // L)]

        @plsc.parallel_loop(lo, hi, unroll=4)
        def row_body(i):
            vi = plsc.load_gather(vscr, [jnp.full((L,), i - r0, jnp.int32)])
            b = (i - band_lo) * IMG
            plsc.addupdate_scatter(band, [cv[0] + b], vi * ws[0])
            plsc.addupdate_scatter(band, [cv[1] + b], vi * ws[1])
            plsc.addupdate_scatter(band, [cv[2] + b], vi * ws[2])
            plsc.addupdate_scatter(band, [cv[3] + b], vi * ws[3])

        return _

    lax.fori_loop(0, n_work, emitter_body, None)

    pltpu.sync_copy(band, out_hbm.at[pl.ds(band_lo * IMG, BAND * IMG)])


_scatter = functools.partial(
    pl.kernel,
    out_type=jax.ShapeDtypeStruct((IMG * IMG,), jnp.float32),
    mesh=plsc.VectorSubcoreMesh(core_axis_name="c", subcore_axis_name="s",
                                num_cores=NC, num_subcores=NS),
    compiler_params=pltpu.CompilerParams(needs_layout_passes=False),
    scratch_types=[
        pltpu.VMEM((N_EM,), jnp.float32),
        pltpu.VMEM((N_EM,), jnp.float32),
        pltpu.VMEM((N_EM,), jnp.float32),
        pltpu.VMEM((N_EM,), jnp.float32),
        pltpu.VMEM((N_EM,), jnp.int32),
        pltpu.VMEM((N_EM,), jnp.int32),
        pltpu.VMEM((N_EM,), jnp.float32),
        pltpu.VMEM((N_EM,), jnp.float32),
        pltpu.VMEM((N_EM,), jnp.float32),
        pltpu.VMEM((N_EM + L,), jnp.int32),
        pltpu.VMEM((WPSF,), jnp.float32),
        pltpu.VMEM((WPSF + L,), jnp.float32),
        pltpu.VMEM((BAND * IMG,), jnp.float32),
        pltpu.SemaphoreType.DMA,
    ],
)(_sc_body)


_EPS = jax.random.normal(jax.random.key(1), (IMG, IMG), dtype=jnp.float32)


def _finish_body(canvas_ref, eps_ref, out_ref):
    x = canvas_ref[...]
    y = x + jnp.sqrt(jnp.maximum(x, 0.0) + 10.0) * eps_ref[...]
    mn = jnp.min(y)
    mx = jnp.max(y)
    out_ref[...] = (y - mn) / (mx - mn)


def kernel(local_xyz, xy_center, Nphotons):
    lx = local_xyz[0, :, 0]
    ly = local_xyz[0, :, 1]
    z = local_xyz[0, :, 2]
    nph = Nphotons[0]
    zeros = jnp.zeros((BAND * IMG,), jnp.float32)
    canvas = _scatter(lx, ly, z, nph, zeros).reshape(IMG, IMG)
    return (canvas, local_xyz)

# --- scband reference (transcript-rebuilt; emitter-appended) ---
"""Pipeline reference for scband-training-image-layer-59734405153334 (READ-ONLY COPY).

The authoritative reference and input builder live on the scoring server;
editing this copy changes nothing except your own understanding.
"""

import jax, jax.numpy as jnp
import numpy as np

W_PSF = 64          # interpolated_psf_width
H = 1024
W_IMG = 1024
CLEAR_DIST = 0
M = 1.0
PIX_CCD = 1.0
_margin = int(np.ceil(W_PSF / 2 - CLEAR_DIST + 2))
MARGIN = int(_margin + _margin % 2)   # 34
IM_SIZE = H + 2 * MARGIN              # 1092
N_EM = 1024


def setup_inputs(seed: int = 0) -> dict:
    key = jax.random.key(seed)
    k1, k2, k3, k4 = jax.random.split(key, 4)
    # emitter lateral positions in CCD pixels, kept safely inside the canvas
    xy = jax.random.uniform(k1, (1, N_EM, 2), minval=-400.0, maxval=400.0, dtype=jnp.float32)
    z = jax.random.uniform(k2, (1, N_EM, 1), minval=-1.0, maxval=1.0, dtype=jnp.float32)
    local_xyz = jnp.concatenate([xy, z], axis=-1)
    xy_center = jax.random.uniform(k3, (2,), minval=-5.0, maxval=5.0, dtype=jnp.float32)
    Nphotons = jax.random.uniform(k4, (1, N_EM), minval=1000.0, maxval=6000.0, dtype=jnp.float32)
    return {"local_xyz": local_xyz, "xy_center": xy_center, "Nphotons": Nphotons}


def _psf_bank(z):
    # psf_module(0, 0, z): z-dependent defocused Gaussian PSF (fd_flag=False path)
    sigma = 1.5 + 3.0 * jnp.abs(z)                 # [N]
    g = jnp.arange(W_PSF, dtype=jnp.float32) - (W_PSF - 1) / 2.0
    r2 = g[:, None] ** 2 + g[None, :] ** 2         # [w, w]
    return jnp.exp(-r2[None, :, :] / (2.0 * sigma[:, None, None] ** 2))


def _forward(local_xyz, xy_center, Nphotons):
    # xyz_global (kept for fidelity; only used by psf_module when fd_flag=True)
    xyz_global = local_xyz.at[:, :, 0].add(xy_center[0])
    xyz_global = xyz_global.at[:, :, 1].add(xy_center[1])
    z = xyz_global[0, :, 2]
    psf = _psf_bank(z)                              # [N, w, w]

    lx_ccd = local_xyz[0, :, 0] * M / PIX_CCD
    ly_ccd = local_xyz[0, :, 1] * M / PIX_CCD
    r_start_f = ly_ccd + IM_SIZE / 2.0 - W_PSF / 2.0
    c_start_f = lx_ccd + IM_SIZE / 2.0 - W_PSF / 2.0
    r_start = jnp.floor(r_start_f).astype(jnp.int32)
    c_start = jnp.floor(c_start_f).astype(jnp.int32)
    r_shift = r_start_f - r_start.astype(jnp.float32)   # in [0,1)
    c_shift = c_start_f - c_start.astype(jnp.float32)

    # subpixel shift (bilinear, zero-fill) ~ scipy.ndimage.shift
    p = jnp.pad(psf, ((0, 0), (1, 0), (1, 0)))
    rs = r_shift[:, None, None]
    cs = c_shift[:, None, None]
    shifted = ((1 - rs) * (1 - cs) * p[:, 1:, 1:]
               + rs * (1 - cs) * p[:, :-1, 1:]
               + (1 - rs) * cs * p[:, 1:, :-1]
               + rs * cs * p[:, :-1, :-1])
    shifted = jnp.abs(shifted)
    shifted = shifted / jnp.sum(shifted, axis=(1, 2), keepdims=True) * Nphotons[0, :, None, None]

    # scatter-add each patch into the canvas
    rows = r_start[:, None, None] + jnp.arange(W_PSF, dtype=jnp.int32)[None, :, None]
    cols = c_start[:, None, None] + jnp.arange(W_PSF, dtype=jnp.int32)[None, None, :]
    canvas = jnp.zeros((IM_SIZE, IM_SIZE), dtype=jnp.float32)
    canvas = canvas.at[rows, cols].add(shifted)

    im = canvas[MARGIN:MARGIN + H, MARGIN:MARGIN + W_IMG]

    # noise layer: shot-noise Gaussian approximation (deterministic key)
    eps = jax.random.normal(jax.random.key(1), im.shape, dtype=jnp.float32)
    baseline = 10.0
    im_noisy = im + jnp.sqrt(jax.nn.relu(im) + baseline) * eps

    # project_01 = True
    im_np = (im_noisy - im_noisy.min()) / (im_noisy.max() - im_noisy.min())
    return im_np


def reference(local_xyz, xy_center, Nphotons):
    im_np = _forward(local_xyz, xy_center, Nphotons)
    # nsig_unif=True -> no emitter filtering
    return (im_np, local_xyz)

if __name__ == "__main__":
    import jax
    _d = setup_inputs()
    print(jax.jit(kernel)(*tuple(_d.values())))

</pallas_src>

<mosaic_0001>
#map = affine_map<(d0, d1) -> (0)>
module attributes {stable_mosaic.version = 14 : i64} {
  func.func @_sc_body(%arg0: i32, %arg1: i32, %arg2: memref<1024xf32, #tpu.memory_space<hbm>>, %arg3: memref<1024xf32, #tpu.memory_space<hbm>>, %arg4: memref<1024xf32, #tpu.memory_space<hbm>>, %arg5: memref<1024xf32, #tpu.memory_space<hbm>>, %arg6: memref<32768xf32, #tpu.memory_space<hbm>>, %arg7: memref<1048576xf32, #tpu.memory_space<hbm>>, %arg8: memref<1024xf32, #tpu.memory_space<vmem>>, %arg9: memref<1024xf32, #tpu.memory_space<vmem>>, %arg10: memref<1024xf32, #tpu.memory_space<vmem>>, %arg11: memref<1024xf32, #tpu.memory_space<vmem>>, %arg12: memref<1024xi32, #tpu.memory_space<vmem>>, %arg13: memref<1024xi32, #tpu.memory_space<vmem>>, %arg14: memref<1024xf32, #tpu.memory_space<vmem>>, %arg15: memref<1024xf32, #tpu.memory_space<vmem>>, %arg16: memref<1024xf32, #tpu.memory_space<vmem>>, %arg17: memref<1040xi32, #tpu.memory_space<vmem>>, %arg18: memref<64xf32, #tpu.memory_space<vmem>>, %arg19: memref<80xf32, #tpu.memory_space<vmem>>, %arg20: memref<32768xf32, #tpu.memory_space<vmem>>, %arg21: memref<!tpu.dma_semaphore, #tpu.memory_space<semaphore_mem>>) attributes {dimension_semantics = [#tpu.dimension_semantics<core_parallel>, #tpu.dimension_semantics<subcore_parallel>], iteration_bounds = array<i64: 2, 16>, scalar_prefetch = 0 : i64, scratch_operands = 14 : i64, tpu.core_type = #tpu.core_type<sc_vector_subcore>, window_params = [{transform_indices = #map}, {transform_indices = #map}, {transform_indices = #map}, {transform_indices = #map}, {transform_indices = #map}, {transform_indices = #map}]} {
    %mul3A = arith.constant 2 : i32
    %mul3A_0 = arith.muli %arg1, %mul3A : i32
    %add3A = arith.addi %mul3A_0, %arg0 : i32
    %mul3A_1 = arith.constant 32 : i32
    %mul3A_2 = arith.muli %add3A, %mul3A_1 : i32
    tpu.enqueue_dma source(%arg6 : memref<32768xf32, #tpu.memory_space<hbm>>) target(%arg20 : memref<32768xf32, #tpu.memory_space<vmem>>) target_semaphore(%arg21 : memref<!tpu.dma_semaphore, #tpu.memory_space<semaphore_mem>>)
    "tpu.region"() ({
      %run_scoped3A = tpu.sem_alloc : memref<!tpu.dma_semaphore, #tpu.memory_space<semaphore_mem>>
      tpu.enqueue_dma source(%arg2 : memref<1024xf32, #tpu.memory_space<hbm>>) target(%arg8 : memref<1024xf32, #tpu.memory_space<vmem>>) target_semaphore(%run_scoped3A : memref<!tpu.dma_semaphore, #tpu.memory_space<semaphore_mem>>)
      tpu.wait_dma2 semaphore(%run_scoped3A : memref<!tpu.dma_semaphore, #tpu.memory_space<semaphore_mem>>) src(%arg2 : memref<1024xf32, #tpu.memory_space<hbm>>) dst(%arg8 : memref<1024xf32, #tpu.memory_space<vmem>>)
      tpu.yield
    }) : () -> ()
    "tpu.region"() ({
      %run_scoped3A = tpu.sem_alloc : memref<!tpu.dma_semaphore, #tpu.memory_space<semaphore_mem>>
      tpu.enqueue_dma source(%arg3 : memref<1024xf32, #tpu.memory_space<hbm>>) target(%arg9 : memref<1024xf32, #tpu.memory_space<vmem>>) target_semaphore(%run_scoped3A : memref<!tpu.dma_semaphore, #tpu.memory_space<semaphore_mem>>)
      tpu.wait_dma2 semaphore(%run_scoped3A : memref<!tpu.dma_semaphore, #tpu.memory_space<semaphore_mem>>) src(%arg3 : memref<1024xf32, #tpu.memory_space<hbm>>) dst(%arg9 : memref<1024xf32, #tpu.memory_space<vmem>>)
      tpu.yield
    }) : () -> ()
    "tpu.region"() ({
      %run_scoped3A = tpu.sem_alloc : memref<!tpu.dma_semaphore, #tpu.memory_space<semaphore_mem>>
      tpu.enqueue_dma source(%arg4 : memref<1024xf32, #tpu.memory_space<hbm>>) target(%arg10 : memref<1024xf32, #tpu.memory_space<vmem>>) target_semaphore(%run_scoped3A : memref<!tpu.dma_semaphore, #tpu.memory_space<semaphore_mem>>)
      tpu.wait_dma2 semaphore(%run_scoped3A : memref<!tpu.dma_semaphore, #tpu.memory_space<semaphore_mem>>) src(%arg4 : memref<1024xf32, #tpu.memory_space<hbm>>) dst(%arg10 : memref<1024xf32, #tpu.memory_space<vmem>>)
      tpu.yield
    }) : () -> ()
    "tpu.region"() ({
      %run_scoped3A = tpu.sem_alloc : memref<!tpu.dma_semaphore, #tpu.memory_space<semaphore_mem>>
      tpu.enqueue_dma source(%arg5 : memref<1024xf32, #tpu.memory_space<hbm>>) target(%arg11 : memref<1024xf32, #tpu.memory_space<vmem>>) target_semaphore(%run_scoped3A : memref<!tpu.dma_semaphore, #tpu.memory_space<semaphore_mem>>)
      tpu.wait_dma2 semaphore(%run_scoped3A : memref<!tpu.dma_semaphore, #tpu.memory_space<semaphore_mem>>) src(%arg5 : memref<1024xf32, #tpu.memory_space<hbm>>) dst(%arg11 : memref<1024xf32, #tpu.memory_space<vmem>>)
      tpu.yield
    }) : () -> ()
    %iota3A = tpu.iota {dimensions = array<i32: 0>} : vector<16xi32>
    %convert_element_type3A = arith.sitofp %iota3A : vector<16xi32> to vector<16xf32>
    %parallel_loop3A = arith.constant 0 : i32
    %parallel_loop3A_3 = arith.constant 1024 : i32
    %parallel_loop3A_4 = arith.constant 16 : i32
    %parallel_loop3A_5 = arith.constant 0 : i32
    %parallel_loop3A_6 = scf.for %parallel_loop3A_19 = %parallel_loop3A to %parallel_loop3A_3 step %parallel_loop3A_4 iter_args(%parallel_loop3A_20 = %parallel_loop3A_5) -> (i32)  : i32 {
      %parallel_loop3A_21 = vector.broadcast %parallel_loop3A_19 : i32 to vector<16xi32>
      %parallel_loop3A_22 = arith.addi %parallel_loop3A_21, %iota3A : vector<16xi32>
      %parallel_loop3A_23 = tpu.vector_load_idx %arg8[%parallel_loop3A_22] : memref<1024xf32, #tpu.memory_space<vmem>>[vector<16xi32>], vector<16xf32>,
      %parallel_loop3A_24 = tpu.vector_load_idx %arg9[%parallel_loop3A_22] : memref<1024xf32, #tpu.memory_space<vmem>>[vector<16xi32>], vector<16xf32>,
      %parallel_loop3A_25 = tpu.vector_load_idx %arg10[%parallel_loop3A_22] : memref<1024xf32, #tpu.memory_space<vmem>>[vector<16xi32>], vector<16xf32>,
      %parallel_loop3A_26 = math.absf %parallel_loop3A_25 : vector<16xf32>
      %parallel_loop3A_27 = arith.constant 3.000000e+00 : f32
      %parallel_loop3A_28 = vector.broadcast %parallel_loop3A_27 : f32 to vector<16xf32>
      %parallel_loop3A_29 = arith.mulf %parallel_loop3A_28, %parallel_loop3A_26 : vector<16xf32>
      %parallel_loop3A_30 = arith.constant 1.500000e+00 : f32
      %parallel_loop3A_31 = vector.broadcast %parallel_loop3A_30 : f32 to vector<16xf32>
      %parallel_loop3A_32 = arith.addf %parallel_loop3A_31, %parallel_loop3A_29 : vector<16xf32>
      %parallel_loop3A_33 = arith.constant 2.000000e+00 : f32
      %parallel_loop3A_34 = vector.broadcast %parallel_loop3A_33 : f32 to vector<16xf32>
      %parallel_loop3A_35 = arith.mulf %parallel_loop3A_34, %parallel_loop3A_32 : vector<16xf32>
      %parallel_loop3A_36 = arith.mulf %parallel_loop3A_35, %parallel_loop3A_32 : vector<16xf32>
      %parallel_loop3A_37 = arith.constant -1.000000e+00 : f32
      %parallel_loop3A_38 = vector.broadcast %parallel_loop3A_37 : f32 to vector<16xf32>
      %parallel_loop3A_39 = arith.divf %parallel_loop3A_38, %parallel_loop3A_36 : vector<16xf32>
      %parallel_loop3A_40 = arith.constant 4.800000e+02 : f32
      %parallel_loop3A_41 = vector.broadcast %parallel_loop3A_40 : f32 to vector<16xf32>
      %parallel_loop3A_42 = arith.addf %parallel_loop3A_24, %parallel_loop3A_41 : vector<16xf32>
      %parallel_loop3A_43 = arith.constant 4.800000e+02 : f32
      %parallel_loop3A_44 = vector.broadcast %parallel_loop3A_43 : f32 to vector<16xf32>
      %parallel_loop3A_45 = arith.addf %parallel_loop3A_23, %parallel_loop3A_44 : vector<16xf32>
      %parallel_loop3A_46 = arith.fptosi %parallel_loop3A_42 : vector<16xf32> to vector<16xi32>
      %parallel_loop3A_47 = arith.fptosi %parallel_loop3A_45 : vector<16xf32> to vector<16xi32>
      tpu.vector_store_idx %arg12[%parallel_loop3A_22], %parallel_loop3A_46 : memref<1024xi32, #tpu.memory_space<vmem>>[vector<16xi32>], vector<16xi32>,
      tpu.vector_store_idx %arg13[%parallel_loop3A_22], %parallel_loop3A_47 : memref<1024xi32, #tpu.memory_space<vmem>>[vector<16xi32>], vector<16xi32>,
      %parallel_loop3A_48 = arith.sitofp %parallel_loop3A_46 : vector<16xi32> to vector<16xf32>
      %parallel_loop3A_49 = arith.subf %parallel_loop3A_42, %parallel_loop3A_48 : vector<16xf32>
      tpu.vector_store_idx %arg14[%parallel_loop3A_22], %parallel_loop3A_49 : memref<1024xf32, #tpu.memory_space<vmem>>[vector<16xi32>], vector<16xf32>,
      %parallel_loop3A_50 = arith.sitofp %parallel_loop3A_47 : vector<16xi32> to vector<16xf32>
      %parallel_loop3A_51 = arith.subf %parallel_loop3A_45, %parallel_loop3A_50 : vector<16xf32>
      tpu.vector_store_idx %arg15[%parallel_loop3A_22], %parallel_loop3A_51 : memref<1024xf32, #tpu.memory_space<vmem>>[vector<16xi32>], vector<16xf32>,
      tpu.vector_store_idx %arg16[%parallel_loop3A_22], %parallel_loop3A_39 : memref<1024xf32, #tpu.memory_space<vmem>>[vector<16xi32>], vector<16xf32>,
      %parallel_loop3A_52 = arith.constant 32 : i32
      %parallel_loop3A_53 = arith.addi %mul3A_2, %parallel_loop3A_52 : i32
      %parallel_loop3A_54 = vector.broadcast %parallel_loop3A_53 : i32 to vector<16xi32>
      %parallel_loop3A_55 = arith.cmpi slt, %parallel_loop3A_46, %parallel_loop3A_54 : vector<16xi32>
      %parallel_loop3A_56 = arith.constant 64 : i32
      %parallel_loop3A_57 = vector.broadcast %parallel_loop3A_56 : i32 to vector<16xi32>
      %parallel_loop3A_58 = arith.addi %parallel_loop3A_46, %parallel_loop3A_57 : vector<16xi32>
      %parallel_loop3A_59 = vector.broadcast %mul3A_2 : i32 to vector<16xi32>
      %parallel_loop3A_60 = arith.cmpi sgt, %parallel_loop3A_58, %parallel_loop3A_59 : vector<16xi32>
      %parallel_loop3A_61 = arith.andi %parallel_loop3A_55, %parallel_loop3A_60 : vector<16xi1>
      %parallel_loop3A_62 = arith.index_cast %parallel_loop3A_20 : i32 to index
      %parallel_loop3A_63 = tpu.vector_load %arg17[%parallel_loop3A_62] masked %parallel_loop3A_61 {strides = array<i32>} : memref<1040xi32, #tpu.memory_space<vmem>>, vector<16xi32>, vector<16xi1>
      tpu.vector_store %arg17[%parallel_loop3A_62], %parallel_loop3A_22 masked %parallel_loop3A_61 {strides = array<i32>} : memref<1040xi32, #tpu.memory_space<vmem>>, vector<16xi32>, vector<16xi1>
      %parallel_loop3A_64 = tpu.all_reduce %parallel_loop3A_61 {dim = 0 : i64, kind = #tpu.reduction_kind<sum>} : vector<16xi1> -> vector<16xi32>
      %parallel_loop3A_65 = vector.extract_strided_slice %parallel_loop3A_64 {offsets = [0], sizes = [1], strides = [1]} : vector<16xi32> to vector<1xi32>
      %parallel_loop3A_66 = vector.extract %parallel_loop3A_65[0] : i32 from vector<1xi32>
      %parallel_loop3A_67 = arith.addi %parallel_loop3A_20, %parallel_loop3A_66 : i32
      scf.yield %parallel_loop3A_67 : i32
    } {sc.loop_unroll_factor = 2 : i64, sc.parallel_access}
    tpu.wait_dma2 semaphore(%arg21 : memref<!tpu.dma_semaphore, #tpu.memory_space<semaphore_mem>>) src(%arg6 : memref<32768xf32, #tpu.memory_space<hbm>>) dst(%arg20 : memref<32768xf32, #tpu.memory_space<vmem>>)
    %broadcast_in_dim3A = arith.constant 0.000000e+00 : f32
    %broadcast_in_dim3A_7 = vector.broadcast %broadcast_in_dim3A : f32 to vector<16xf32>
    %swap3A = arith.constant 0 : index
    %swap3A_8 = tpu.vector_load %arg19[%swap3A] {strides = array<i32>} : memref<80xf32, #tpu.memory_space<vmem>>, vector<16xf32>,
    tpu.vector_store %arg19[%swap3A], %broadcast_in_dim3A_7 {strides = array<i32>} : memref<80xf32, #tpu.memory_space<vmem>>, vector<16xf32>,
    %while3A = arith.constant 0 : i32
    %while3A_9 = arith.subi %parallel_loop3A_6, %while3A : i32
    %while3A_10 = arith.addi %while3A, %while3A_9 : i32
    %while3A_11 = arith.constant 1 : i32
    %while3A_12 = arith.divsi %while3A_9, %while3A_11 : i32
    %while3A_13 = arith.muli %while3A_12, %while3A_11 : i32
    %while3A_14 = arith.addi %while3A, %while3A_13 : i32
    %while3A_15 = arith.constant 1 : i32
    scf.for %while3A_19 = %while3A to %while3A_14 step %while3A_15  : i32 {
      %broadcast_in_dim3A_20 = vector.broadcast %while3A_19 : i32 to vector<16xi32>
      %gather3A = tpu.vector_load_idx %arg17[%broadcast_in_dim3A_20] : memref<1040xi32, #tpu.memory_space<vmem>>[vector<16xi32>], vector<16xi32>,
      %gather3A_21 = tpu.vector_load_idx %arg12[%gather3A] : memref<1024xi32, #tpu.memory_space<vmem>>[vector<16xi32>], vector<16xi32>,
      %slice3A = vector.extract_strided_slice %gather3A_21 {offsets = [0], sizes = [1], strides = [1]} : vector<16xi32> to vector<1xi32>
      %squeeze3A = vector.extract %slice3A[0] : i32 from vector<1xi32>
      %gather3A_22 = tpu.vector_load_idx %arg13[%gather3A] : memref<1024xi32, #tpu.memory_space<vmem>>[vector<16xi32>], vector<16xi32>,
      %slice3A_23 = vector.extract_strided_slice %gather3A_22 {offsets = [0], sizes = [1], strides = [1]} : vector<16xi32> to vector<1xi32>
      %squeeze3A_24 = vector.extract %slice3A_23[0] : i32 from vector<1xi32>
      %gather3A_25 = tpu.vector_load_idx %arg14[%gather3A] : memref<1024xf32, #tpu.memory_space<vmem>>[vector<16xi32>], vector<16xf32>,
      %gather3A_26 = tpu.vector_load_idx %arg15[%gather3A] : memref<1024xf32, #tpu.memory_space<vmem>>[vector<16xi32>], vector<16xf32>,
      %gather3A_27 = tpu.vector_load_idx %arg16[%gather3A] : memref<1024xf32, #tpu.memory_space<vmem>>[vector<16xi32>], vector<16xf32>,
      %gather3A_28 = tpu.vector_load_idx %arg11[%gather3A] : memref<1024xf32, #tpu.memory_space<vmem>>[vector<16xi32>], vector<16xf32>,
      %add3A_29 = arith.constant -3.150000e+01 : f32
      %add3A_30 = vector.broadcast %add3A_29 : f32 to vector<16xf32>
      %add3A_31 = arith.addf %convert_element_type3A, %add3A_30 : vector<16xf32>
      %mul3A_32 = arith.mulf %add3A_31, %add3A_31 : vector<16xf32>
      %mul3A_33 = arith.mulf %mul3A_32, %gather3A_27 : vector<16xf32>
      %exp3A = math.exp %mul3A_33 : vector<16xf32>
      %swap3A_34 = arith.constant 16 : index
      %swap3A_35 = tpu.vector_load %arg19[%swap3A_34] {strides = array<i32>} : memref<80xf32, #tpu.memory_space<vmem>>, vector<16xf32>,
      tpu.vector_store %arg19[%swap3A_34], %exp3A {strides = array<i32>} : memref<80xf32, #tpu.memory_space<vmem>>, vector<16xf32>,
      %add3A_36 = arith.constant -1.550000e+01 : f32
      %add3A_37 = vector.broadcast %add3A_36 : f32 to vector<16xf32>
      %add3A_38 = arith.addf %convert_element_type3A, %add3A_37 : vector<16xf32>
      %mul3A_39 = arith.mulf %add3A_38, %add3A_38 : vector<16xf32>
      %mul3A_40 = arith.mulf %mul3A_39, %gather3A_27 : vector<16xf32>
      %exp3A_41 = math.exp %mul3A_40 : vector<16xf32>
      %swap3A_42 = arith.constant 32 : index
      %swap3A_43 = tpu.vector_load %arg19[%swap3A_42] {strides = array<i32>} : memref<80xf32, #tpu.memory_space<vmem>>, vector<16xf32>,
      tpu.vector_store %arg19[%swap3A_42], %exp3A_41 {strides = array<i32>} : memref<80xf32, #tpu.memory_space<vmem>>, vector<16xf32>,
      %add3A_44 = arith.constant 5.000000e-01 : f32
      %add3A_45 = vector.broadcast %add3A_44 : f32 to vector<16xf32>
      %add3A_46 = arith.addf %convert_element_type3A, %add3A_45 : vector<16xf32>
      %mul3A_47 = arith.mulf %add3A_46, %add3A_46 : vector<16xf32>
      %mul3A_48 = arith.mulf %mul3A_47, %gather3A_27 : vector<16xf32>
      %exp3A_49 = math.exp %mul3A_48 : vector<16xf32>
      %swap3A_50 = arith.constant 48 : index
      %swap3A_51 = tpu.vector_load %arg19[%swap3A_50] {strides = array<i32>} : memref<80xf32, #tpu.memory_space<vmem>>, vector<16xf32>,
      tpu.vector_store %arg19[%swap3A_50], %exp3A_49 {strides = array<i32>} : memref<80xf32, #tpu.memory_space<vmem>>, vector<16xf32>,
      %add3A_52 = arith.constant 1.650000e+01 : f32
      %add3A_53 = vector.broadcast %add3A_52 : f32 to vector<16xf32>
      %add3A_54 = arith.addf %convert_element_type3A, %add3A_53 : vector<16xf32>
      %mul3A_55 = arith.mulf %add3A_54, %add3A_54 : vector<16xf32>
      %mul3A_56 = arith.mulf %mul3A_55, %gather3A_27 : vector<16xf32>
      %exp3A_57 = math.exp %mul3A_56 : vector<16xf32>
      %swap3A_58 = arith.constant 64 : index
      %swap3A_59 = tpu.vector_load %arg19[%swap3A_58] {strides = array<i32>} : memref<80xf32, #tpu.memory_space<vmem>>, vector<16xf32>,
      tpu.vector_store %arg19[%swap3A_58], %exp3A_57 {strides = array<i32>} : memref<80xf32, #tpu.memory_space<vmem>>, vector<16xf32>,
      %get3A = arith.constant 15 : index
      %get3A_60 = tpu.vector_load %arg19[%get3A] {strides = array<i32>} : memref<80xf32, #tpu.memory_space<vmem>>, vector<16xf32>,
      %get3A_61 = arith.constant 31 : index
      %get3A_62 = tpu.vector_load %arg19[%get3A_61] {strides = array<i32>} : memref<80xf32, #tpu.memory_space<vmem>>, vector<16xf32>,
      %get3A_63 = arith.constant 47 : index
      %get3A_64 = tpu.vector_load %arg19[%get3A_63] {strides = array<i32>} : memref<80xf32, #tpu.memory_space<vmem>>, vector<16xf32>,
      %get3A_65 = arith.constant 63 : index
      %get3A_66 = tpu.vector_load %arg19[%get3A_65] {strides = array<i32>} : memref<80xf32, #tpu.memory_space<vmem>>, vector<16xf32>,
      %add3A_67 = arith.addf %exp3A, %exp3A_41 : vector<16xf32>
      %add3A_68 = arith.addf %add3A_67, %exp3A_49 : vector<16xf32>
      %add3A_69 = arith.addf %add3A_68, %exp3A_57 : vector<16xf32>
      %reduce_sum3A = arith.constant true
      %reduce_sum3A_70 = vector.broadcast %reduce_sum3A : i1 to vector<16xi1>
      %reduce_sum3A_71 = tpu.scan <sum>, %add3A_69 masked %reduce_sum3A_70 : vector<16xf32>, vector<16xi1> -> vector<16xf32>
      %reduce_sum3A_72 = vector.extract %reduce_sum3A_71[15] : f32 from vector<16xf32>
      %broadcast_in_dim3A_73 = vector.broadcast %reduce_sum3A_72 : f32 to vector<16xf32>
      %slice3A_74 = vector.extract_strided_slice %exp3A_57 {offsets = [15], sizes = [1], strides = [1]} : vector<16xf32> to vector<1xf32>
      %squeeze3A_75 = vector.extract %slice3A_74[0] : f32 from vector<1xf32>
      %broadcast_in_dim3A_76 = vector.broadcast %squeeze3A_75 : f32 to vector<16xf32>
      %sub3A = arith.subf %broadcast_in_dim3A_73, %broadcast_in_dim3A_76 : vector<16xf32>
      %sub3A_77 = arith.constant 1.000000e+00 : f32
      %sub3A_78 = vector.broadcast %sub3A_77 : f32 to vector<16xf32>
      %sub3A_79 = arith.subf %sub3A_78, %gather3A_25 : vector<16xf32>
      %mul3A_80 = arith.mulf %sub3A_79, %broadcast_in_dim3A_73 : vector<16xf32>
      %mul3A_81 = arith.mulf %gather3A_25, %sub3A : vector<16xf32>
      %add3A_82 = arith.addf %mul3A_80, %mul3A_81 : vector<16xf32>
      %sub3A_83 = arith.constant 1.000000e+00 : f32
      %sub3A_84 = vector.broadcast %sub3A_83 : f32 to vector<16xf32>
      %sub3A_85 = arith.subf %sub3A_84, %gather3A_26 : vector<16xf32>
      %mul3A_86 = arith.mulf %sub3A_85, %broadcast_in_dim3A_73 : vector<16xf32>
      %mul3A_87 = arith.mulf %gather3A_26, %sub3A : vector<16xf32>
      %add3A_88 = arith.addf %mul3A_86, %mul3A_87 : vector<16xf32>
      %mul3A_89 = arith.mulf %add3A_82, %add3A_88 : vector<16xf32>
      %div3A = arith.divf %gather3A_28, %mul3A_89 : vector<16xf32>
      %sub3A_90 = arith.constant 1.000000e+00 : f32
      %sub3A_91 = vector.broadcast %sub3A_90 : f32 to vector<16xf32>
      %sub3A_92 = arith.subf %sub3A_91, %gather3A_26 : vector<16xf32>
      %mul3A_93 = arith.mulf %sub3A_92, %exp3A : vector<16xf32>
      %mul3A_94 = arith.mulf %gather3A_26, %get3A_60 : vector<16xf32>
      %add3A_95 = arith.addf %mul3A_93, %mul3A_94 : vector<16xf32>
      %mul3A_96 = arith.mulf %add3A_95, %div3A : vector<16xf32>
      %sub3A_97 = arith.constant 1.000000e+00 : f32
      %sub3A_98 = vector.broadcast %sub3A_97 : f32 to vector<16xf32>
      %sub3A_99 = arith.subf %sub3A_98, %gather3A_25 : vector<16xf32>
      %mul3A_100 = arith.mulf %sub3A_99, %exp3A : vector<16xf32>
      %mul3A_101 = arith.mulf %gather3A_25, %get3A_60 : vector<16xf32>
      %add3A_102 = arith.addf %mul3A_100, %mul3A_101 : vector<16xf32>
      %swap3A_103 = arith.constant 0 : index
      %swap3A_104 = tpu.vector_load %arg18[%swap3A_103] {strides = array<i32>} : memref<64xf32, #tpu.memory_space<vmem>>, vector<16xf32>,
      tpu.vector_store %arg18[%swap3A_103], %add3A_102 {strides = array<i32>} : memref<64xf32, #tpu.memory_space<vmem>>, vector<16xf32>,
      %sub3A_105 = arith.constant 1.000000e+00 : f32
      %sub3A_106 = vector.broadcast %sub3A_105 : f32 to vector<16xf32>
      %sub3A_107 = arith.subf %sub3A_106, %gather3A_26 : vector<16xf32>
      %mul3A_108 = arith.mulf %sub3A_107, %exp3A_41 : vector<16xf32>
      %mul3A_109 = arith.mulf %gather3A_26, %get3A_62 : vector<16xf32>
      %add3A_110 = arith.addf %mul3A_108, %mul3A_109 : vector<16xf32>
      %mul3A_111 = arith.mulf %add3A_110, %div3A : vector<16xf32>
      %sub3A_112 = arith.constant 1.000000e+00 : f32
      %sub3A_113 = vector.broadcast %sub3A_112 : f32 to vector<16xf32>
      %sub3A_114 = arith.subf %sub3A_113, %gather3A_25 : vector<16xf32>
      %mul3A_115 = arith.mulf %sub3A_114, %exp3A_41 : vector<16xf32>
      %mul3A_116 = arith.mulf %gather3A_25, %get3A_62 : vector<16xf32>
      %add3A_117 = arith.addf %mul3A_115, %mul3A_116 : vector<16xf32>
      %swap3A_118 = arith.constant 16 : index
      %swap3A_119 = tpu.vector_load %arg18[%swap3A_118] {strides = array<i32>} : memref<64xf32, #tpu.memory_space<vmem>>, vector<16xf32>,
      tpu.vector_store %arg18[%swap3A_118], %add3A_117 {strides = array<i32>} : memref<64xf32, #tpu.memory_space<vmem>>, vector<16xf32>,
      %sub3A_120 = arith.constant 1.000000e+00 : f32
      %sub3A_121 = vector.broadcast %sub3A_120 : f32 to vector<16xf32>
      %sub3A_122 = arith.subf %sub3A_121, %gather3A_26 : vector<16xf32>
      %mul3A_123 = arith.mulf %sub3A_122, %exp3A_49 : vector<16xf32>
      %mul3A_124 = arith.mulf %gather3A_26, %get3A_64 : vector<16xf32>
      %add3A_125 = arith.addf %mul3A_123, %mul3A_124 : vector<16xf32>
      %mul3A_126 = arith.mulf %add3A_125, %div3A : vector<16xf32>
      %sub3A_127 = arith.constant 1.000000e+00 : f32
      %sub3A_128 = vector.broadcast %sub3A_127 : f32 to vector<16xf32>
      %sub3A_129 = arith.subf %sub3A_128, %gather3A_25 : vector<16xf32>
      %mul3A_130 = arith.mulf %sub3A_129, %exp3A_49 : vector<16xf32>
      %mul3A_131 = arith.mulf %gather3A_25, %get3A_64 : vector<16xf32>
      %add3A_132 = arith.addf %mul3A_130, %mul3A_131 : vector<16xf32>
      %swap3A_133 = arith.constant 32 : index
      %swap3A_134 = tpu.vector_load %arg18[%swap3A_133] {strides = array<i32>} : memref<64xf32, #tpu.memory_space<vmem>>, vector<16xf32>,
      tpu.vector_store %arg18[%swap3A_133], %add3A_132 {strides = array<i32>} : memref<64xf32, #tpu.memory_space<vmem>>, vector<16xf32>,
      %sub3A_135 = arith.constant 1.000000e+00 : f32
      %sub3A_136 = vector.broadcast %sub3A_135 : f32 to vector<16xf32>
      %sub3A_137 = arith.subf %sub3A_136, %gather3A_26 : vector<16xf32>
      %mul3A_138 = arith.mulf %sub3A_137, %exp3A_57 : vector<16xf32>
      %mul3A_139 = arith.mulf %gather3A_26, %get3A_66 : vector<16xf32>
      %add3A_140 = arith.addf %mul3A_138, %mul3A_139 : vector<16xf32>
      %mul3A_141 = arith.mulf %add3A_140, %div3A : vector<16xf32>
      %sub3A_142 = arith.constant 1.000000e+00 : f32
      %sub3A_143 = vector.broadcast %sub3A_142 : f32 to vector<16xf32>
      %sub3A_144 = arith.subf %sub3A_143, %gather3A_25 : vector<16xf32>
      %mul3A_145 = arith.mulf %sub3A_144, %exp3A_57 : vector<16xf32>
      %mul3A_146 = arith.mulf %gather3A_25, %get3A_66 : vector<16xf32>
      %add3A_147 = arith.addf %mul3A_145, %mul3A_146 : vector<16xf32>
      %swap3A_148 = arith.constant 48 : index
      %swap3A_149 = tpu.vector_load %arg18[%swap3A_148] {strides = array<i32>} : memref<64xf32, #tpu.memory_space<vmem>>, vector<16xf32>,
      tpu.vector_store %arg18[%swap3A_148], %add3A_147 {strides = array<i32>} : memref<64xf32, #tpu.memory_space<vmem>>, vector<16xf32>,
      %max3A = arith.maxsi %squeeze3A, %mul3A_2 : i32
      %add3A_150 = arith.constant 64 : i32
      %add3A_151 = arith.addi %squeeze3A, %add3A_150 : i32
      %add3A_152 = arith.constant 32 : i32
      %add3A_153 = arith.addi %mul3A_2, %add3A_152 : i32
      %min3A = arith.minsi %add3A_151, %add3A_153 : i32
      %add3A_154 = arith.constant 0 : i32
      %add3A_155 = arith.addi %squeeze3A_24, %add3A_154 : i32
      %add3A_156 = vector.broadcast %add3A_155 : i32 to vector<16xi32>
      %add3A_157 = arith.addi %add3A_156, %iota3A : vector<16xi32>
      %add3A_158 = arith.constant 16 : i32
      %add3A_159 = arith.addi %squeeze3A_24, %add3A_158 : i32
      %add3A_160 = vector.broadcast %add3A_159 : i32 to vector<16xi32>
      %add3A_161 = arith.addi %add3A_160, %iota3A : vector<16xi32>
      %add3A_162 = arith.constant 32 : i32
      %add3A_163 = arith.addi %squeeze3A_24, %add3A_162 : i32
      %add3A_164 = vector.broadcast %add3A_163 : i32 to vector<16xi32>
      %add3A_165 = arith.addi %add3A_164, %iota3A : vector<16xi32>
      %add3A_166 = arith.constant 48 : i32
      %add3A_167 = arith.addi %squeeze3A_24, %add3A_166 : i32
      %add3A_168 = vector.broadcast %add3A_167 : i32 to vector<16xi32>
      %add3A_169 = arith.addi %add3A_168, %iota3A : vector<16xi32>
      %parallel_loop3A_170 = arith.constant 1 : i32
      scf.for %parallel_loop3A_171 = %max3A to %min3A step %parallel_loop3A_170  : i32 {
        %parallel_loop3A_172 = arith.subi %parallel_loop3A_171, %squeeze3A : i32
        %parallel_loop3A_173 = vector.broadcast %parallel_loop3A_172 : i32 to vector<16xi32>
        %parallel_loop3A_174 = tpu.vector_load_idx %arg18[%parallel_loop3A_173] : memref<64xf32, #tpu.memory_space<vmem>>[vector<16xi32>], vector<16xf32>,
        %parallel_loop3A_175 = arith.subi %parallel_loop3A_171, %mul3A_2 : i32
        %parallel_loop3A_176 = arith.constant 1024 : i32
        %parallel_loop3A_177 = arith.muli %parallel_loop3A_175, %parallel_loop3A_176 : i32
        %parallel_loop3A_178 = vector.broadcast %parallel_loop3A_177 : i32 to vector<16xi32>
        %parallel_loop3A_179 = arith.addi %add3A_157, %parallel_loop3A_178 : vector<16xi32>
        %parallel_loop3A_180 = arith.mulf %parallel_loop3A_174, %mul3A_96 : vector<16xf32>
        tpu.vector_store_idx %arg20[%parallel_loop3A_179], %parallel_loop3A_180 {add = true} : memref<32768xf32, #tpu.memory_space<vmem>>[vector<16xi32>], vector<16xf32>,
        %parallel_loop3A_181 = vector.broadcast %parallel_loop3A_177 : i32 to vector<16xi32>
        %parallel_loop3A_182 = arith.addi %add3A_161, %parallel_loop3A_181 : vector<16xi32>
        %parallel_loop3A_183 = arith.mulf %parallel_loop3A_174, %mul3A_111 : vector<16xf32>
        tpu.vector_store_idx %arg20[%parallel_loop3A_182], %parallel_loop3A_183 {add = true} : memref<32768xf32, #tpu.memory_space<vmem>>[vector<16xi32>], vector<16xf32>,
        %parallel_loop3A_184 = vector.broadcast %parallel_loop3A_177 : i32 to vector<16xi32>
        %parallel_loop3A_185 = arith.addi %add3A_165, %parallel_loop3A_184 : vector<16xi32>
        %parallel_loop3A_186 = arith.mulf %parallel_loop3A_174, %mul3A_126 : vector<16xf32>
        tpu.vector_store_idx %arg20[%parallel_loop3A_185], %parallel_loop3A_186 {add = true} : memref<32768xf32, #tpu.memory_space<vmem>>[vector<16xi32>], vector<16xf32>,
        %parallel_loop3A_187 = vector.broadcast %parallel_loop3A_177 : i32 to vector<16xi32>
        %parallel_loop3A_188 = arith.addi %add3A_169, %parallel_loop3A_187 : vector<16xi32>
        %parallel_loop3A_189 = arith.mulf %parallel_loop3A_174, %mul3A_141 : vector<16xf32>
        tpu.vector_store_idx %arg20[%parallel_loop3A_188], %parallel_loop3A_189 {add = true} : memref<32768xf32, #tpu.memory_space<vmem>>[vector<16xi32>], vector<16xf32>,
      } {sc.loop_unroll_factor = 4 : i64, sc.parallel_access}
    }
    %while3A_16 = arith.constant 1 : i32
    scf.for %while3A_19 = %while3A_14 to %while3A_10 step %while3A_16  : i32 {
      %broadcast_in_dim3A_20 = vector.broadcast %while3A_19 : i32 to vector<16xi32>
      %gather3A = tpu.vector_load_idx %arg17[%broadcast_in_dim3A_20] : memref<1040xi32, #tpu.memory_space<vmem>>[vector<16xi32>], vector<16xi32>,
      %gather3A_21 = tpu.vector_load_idx %arg12[%gather3A] : memref<1024xi32, #tpu.memory_space<vmem>>[vector<16xi32>], vector<16xi32>,
      %slice3A = vector.extract_strided_slice %gather3A_21 {offsets = [0], sizes = [1], strides = [1]} : vector<16xi32> to vector<1xi32>
      %squeeze3A = vector.extract %slice3A[0] : i32 from vector<1xi32>
      %gather3A_22 = tpu.vector_load_idx %arg13[%gather3A] : memref<1024xi32, #tpu.memory_space<vmem>>[vector<16xi32>], vector<16xi32>,
      %slice3A_23 = vector.extract_strided_slice %gather3A_22 {offsets = [0], sizes = [1], strides = [1]} : vector<16xi32> to vector<1xi32>
      %squeeze3A_24 = vector.extract %slice3A_23[0] : i32 from vector<1xi32>
      %gather3A_25 = tpu.vector_load_idx %arg14[%gather3A] : memref<1024xf32, #tpu.memory_space<vmem>>[vector<16xi32>], vector<16xf32>,
      %gather3A_26 = tpu.vector_load_idx %arg15[%gather3A] : memref<1024xf32, #tpu.memory_space<vmem>>[vector<16xi32>], vector<16xf32>,
      %gather3A_27 = tpu.vector_load_idx %arg16[%gather3A] : memref<1024xf32, #tpu.memory_space<vmem>>[vector<16xi32>], vector<16xf32>,
      %gather3A_28 = tpu.vector_load_idx %arg11[%gather3A] : memref<1024xf32, #tpu.memory_space<vmem>>[vector<16xi32>], vector<16xf32>,
      %add3A_29 = arith.constant -3.150000e+01 : f32
      %add3A_30 = vector.broadcast %add3A_29 : f32 to vector<16xf32>
      %add3A_31 = arith.addf %convert_element_type3A, %add3A_30 : vector<16xf32>
      %mul3A_32 = arith.mulf %add3A_31, %add3A_31 : vector<16xf32>
      %mul3A_33 = arith.mulf %mul3A_32, %gather3A_27 : vector<16xf32>
      %exp3A = math.exp %mul3A_33 : vector<16xf32>
      %swap3A_34 = arith.constant 16 : index
      %swap3A_35 = tpu.vector_load %arg19[%swap3A_34] {strides = array<i32>} : memref<80xf32, #tpu.memory_space<vmem>>, vector<16xf32>,
      tpu.vector_store %arg19[%swap3A_34], %exp3A {strides = array<i32>} : memref<80xf32, #tpu.memory_space<vmem>>, vector<16xf32>,
      %add3A_36 = arith.constant -1.550000e+01 : f32
      %add3A_37 = vector.broadcast %add3A_36 : f32 to vector<16xf32>
      %add3A_38 = arith.addf %convert_element_type3A, %add3A_37 : vector<16xf32>
      %mul3A_39 = arith.mulf %add3A_38, %add3A_38 : vector<16xf32>
      %mul3A_40 = arith.mulf %mul3A_39, %gather3A_27 : vector<16xf32>
      %exp3A_41 = math.exp %mul3A_40 : vector<16xf32>
      %swap3A_42 = arith.constant 32 : index
      %swap3A_43 = tpu.vector_load %arg19[%swap3A_42] {strides = array<i32>} : memref<80xf32, #tpu.memory_space<vmem>>, vector<16xf32>,
      tpu.vector_store %arg19[%swap3A_42], %exp3A_41 {strides = array<i32>} : memref<80xf32, #tpu.memory_space<vmem>>, vector<16xf32>,
      %add3A_44 = arith.constant 5.000000e-01 : f32
      %add3A_45 = vector.broadcast %add3A_44 : f32 to vector<16xf32>
      %add3A_46 = arith.addf %convert_element_type3A, %add3A_45 : vector<16xf32>
      %mul3A_47 = arith.mulf %add3A_46, %add3A_46 : vector<16xf32>
      %mul3A_48 = arith.mulf %mul3A_47, %gather3A_27 : vector<16xf32>
      %exp3A_49 = math.exp %mul3A_48 : vector<16xf32>
      %swap3A_50 = arith.constant 48 : index
      %swap3A_51 = tpu.vector_load %arg19[%swap3A_50] {strides = array<i32>} : memref<80xf32, #tpu.memory_space<vmem>>, vector<16xf32>,
      tpu.vector_store %arg19[%swap3A_50], %exp3A_49 {strides = array<i32>} : memref<80xf32, #tpu.memory_space<vmem>>, vector<16xf32>,
      %add3A_52 = arith.constant 1.650000e+01 : f32
      %add3A_53 = vector.broadcast %add3A_52 : f32 to vector<16xf32>
      %add3A_54 = arith.addf %convert_element_type3A, %add3A_53 : vector<16xf32>
      %mul3A_55 = arith.mulf %add3A_54, %add3A_54 : vector<16xf32>
      %mul3A_56 = arith.mulf %mul3A_55, %gather3A_27 : vector<16xf32>
      %exp3A_57 = math.exp %mul3A_56 : vector<16xf32>
      %swap3A_58 = arith.constant 64 : index
      %swap3A_59 = tpu.vector_load %arg19[%swap3A_58] {strides = array<i32>} : memref<80xf32, #tpu.memory_space<vmem>>, vector<16xf32>,
      tpu.vector_store %arg19[%swap3A_58], %exp3A_57 {strides = array<i32>} : memref<80xf32, #tpu.memory_space<vmem>>, vector<16xf32>,
      %get3A = arith.constant 15 : index
      %get3A_60 = tpu.vector_load %arg19[%get3A] {strides = array<i32>} : memref<80xf32, #tpu.memory_space<vmem>>, vector<16xf32>,
      %get3A_61 = arith.constant 31 : index
      %get3A_62 = tpu.vector_load %arg19[%get3A_61] {strides = array<i32>} : memref<80xf32, #tpu.memory_space<vmem>>, vector<16xf32>,
      %get3A_63 = arith.constant 47 : index
      %get3A_64 = tpu.vector_load %arg19[%get3A_63] {strides = array<i32>} : memref<80xf32, #tpu.memory_space<vmem>>, vector<16xf32>,
      %get3A_65 = arith.constant 63 : index
      %get3A_66 = tpu.vector_load %arg19[%get3A_65] {strides = array<i32>} : memref<80xf32, #tpu.memory_space<vmem>>, vector<16xf32>,
      %add3A_67 = arith.addf %exp3A, %exp3A_41 : vector<16xf32>
      %add3A_68 = arith.addf %add3A_67, %exp3A_49 : vector<16xf32>
      %add3A_69 = arith.addf %add3A_68, %exp3A_57 : vector<16xf32>
      %reduce_sum3A = arith.constant true
      %reduce_sum3A_70 = vector.broadcast %reduce_sum3A : i1 to vector<16xi1>
      %reduce_sum3A_71 = tpu.scan <sum>, %add3A_69 masked %reduce_sum3A_70 : vector<16xf32>, vector<16xi1> -> vector<16xf32>
      %reduce_sum3A_72 = vector.extract %reduce_sum3A_71[15] : f32 from vector<16xf32>
      %broadcast_in_dim3A_73 = vector.broadcast %reduce_sum3A_72 : f32 to vector<16xf32>
      %slice3A_74 = vector.extract_strided_slice %exp3A_57 {offsets = [15], sizes = [1], strides = [1]} : vector<16xf32> to vector<1xf32>
      %squeeze3A_75 = vector.extract %slice3A_74[0] : f32 from vector<1xf32>
      %broadcast_in_dim3A_76 = vector.broadcast %squeeze3A_75 : f32 to vector<16xf32>
      %sub3A = arith.subf %broadcast_in_dim3A_73, %broadcast_in_dim3A_76 : vector<16xf32>
      %sub3A_77 = arith.constant 1.000000e+00 : f32
      %sub3A_78 = vector.broadcast %sub3A_77 : f32 to vector<16xf32>
      %sub3A_79 = arith.subf %sub3A_78, %gather3A_25 : vector<16xf32>
      %mul3A_80 = arith.mulf %sub3A_79, %broadcast_in_dim3A_73 : vector<16xf32>
      %mul3A_81 = arith.mulf %gather3A_25, %sub3A : vector<16xf32>
      %add3A_82 = arith.addf %mul3A_80, %mul3A_81 : vector<16xf32>
      %sub3A_83 = arith.constant 1.000000e+00 : f32
      %sub3A_84 = vector.broadcast %sub3A_83 : f32 to vector<16xf32>
      %sub3A_85 = arith.subf %sub3A_84, %gather3A_26 : vector<16xf32>
      %mul3A_86 = arith.mulf %sub3A_85, %broadcast_in_dim3A_73 : vector<16xf32>
      %mul3A_87 = arith.mulf %gather3A_26, %sub3A : vector<16xf32>
      %add3A_88 = arith.addf %mul3A_86, %mul3A_87 : vector<16xf32>
      %mul3A_89 = arith.mulf %add3A_82, %add3A_88 : vector<16xf32>
      %div3A = arith.divf %gather3A_28, %mul3A_89 : vector<16xf32>
      %sub3A_90 = arith.constant 1.000000e+00 : f32
      %sub3A_91 = vector.broadcast %sub3A_90 : f32 to vector<16xf32>
      %sub3A_92 = arith.subf %sub3A_91, %gather3A_26 : vector<16xf32>
      %mul3A_93 = arith.mulf %sub3A_92, %exp3A : vector<16xf32>
      %mul3A_94 = arith.mulf %gather3A_26, %get3A_60 : vector<16xf32>
      %add3A_95 = arith.addf %mul3A_93, %mul3A_94 : vector<16xf32>
      %mul3A_96 = arith.mulf %add3A_95, %div3A : vector<16xf32>
      %sub3A_97 = arith.constant 1.000000e+00 : f32
      %sub3A_98 = vector.broadcast %sub3A_97 : f32 to vector<16xf32>
      %sub3A_99 = arith.subf %sub3A_98, %gather3A_25 : vector<16xf32>
      %mul3A_100 = arith.mulf %sub3A_99, %exp3A : vector<16xf32>
      %mul3A_101 = arith.mulf %gather3A_25, %get3A_60 : vector<16xf32>
      %add3A_102 = arith.addf %mul3A_100, %mul3A_101 : vector<16xf32>
      %swap3A_103 = arith.constant 0 : index
      %swap3A_104 = tpu.vector_load %arg18[%swap3A_103] {strides = array<i32>} : memref<64xf32, #tpu.memory_space<vmem>>, vector<16xf32>,
      tpu.vector_store %arg18[%swap3A_103], %add3A_102 {strides = array<i32>} : memref<64xf32, #tpu.memory_space<vmem>>, vector<16xf32>,
      %sub3A_105 = arith.constant 1.000000e+00 : f32
      %sub3A_106 = vector.broadcast %sub3A_105 : f32 to vector<16xf32>
      %sub3A_107 = arith.subf %sub3A_106, %gather3A_26 : vector<16xf32>
      %mul3A_108 = arith.mulf %sub3A_107, %exp3A_41 : vector<16xf32>
      %mul3A_109 = arith.mulf %gather3A_26, %get3A_62 : vector<16xf32>
      %add3A_110 = arith.addf %mul3A_108, %mul3A_109 : vector<16xf32>
      %mul3A_111 = arith.mulf %add3A_110, %div3A : vector<16xf32>
      %sub3A_112 = arith.constant 1.000000e+00 : f32
      %sub3A_113 = vector.broadcast %sub3A_112 : f32 to vector<16xf32>
      %sub3A_114 = arith.subf %sub3A_113, %gather3A_25 : vector<16xf32>
      %mul3A_115 = arith.mulf %sub3A_114, %exp3A_41 : vector<16xf32>
      %mul3A_116 = arith.mulf %gather3A_25, %get3A_62 : vector<16xf32>
      %add3A_117 = arith.addf %mul3A_115, %mul3A_116 : vector<16xf32>
      %swap3A_118 = arith.constant 16 : index
      %swap3A_119 = tpu.vector_load %arg18[%swap3A_118] {strides = array<i32>} : memref<64xf32, #tpu.memory_space<vmem>>, vector<16xf32>,
      tpu.vector_store %arg18[%swap3A_118], %add3A_117 {strides = array<i32>} : memref<64xf32, #tpu.memory_space<vmem>>, vector<16xf32>,
      %sub3A_120 = arith.constant 1.000000e+00 : f32
      %sub3A_121 = vector.broadcast %sub3A_120 : f32 to vector<16xf32>
      %sub3A_122 = arith.subf %sub3A_121, %gather3A_26 : vector<16xf32>
      %mul3A_123 = arith.mulf %sub3A_122, %exp3A_49 : vector<16xf32>
      %mul3A_124 = arith.mulf %gather3A_26, %get3A_64 : vector<16xf32>
      %add3A_125 = arith.addf %mul3A_123, %mul3A_124 : vector<16xf32>
      %mul3A_126 = arith.mulf %add3A_125, %div3A : vector<16xf32>
      %sub3A_127 = arith.constant 1.000000e+00 : f32
      %sub3A_128 = vector.broadcast %sub3A_127 : f32 to vector<16xf32>
      %sub3A_129 = arith.subf %sub3A_128, %gather3A_25 : vector<16xf32>
      %mul3A_130 = arith.mulf %sub3A_129, %exp3A_49 : vector<16xf32>
      %mul3A_131 = arith.mulf %gather3A_25, %get3A_64 : vector<16xf32>
      %add3A_132 = arith.addf %mul3A_130, %mul3A_131 : vector<16xf32>
      %swap3A_133 = arith.constant 32 : index
      %swap3A_134 = tpu.vector_load %arg18[%swap3A_133] {strides = array<i32>} : memref<64xf32, #tpu.memory_space<vmem>>, vector<16xf32>,
      tpu.vector_store %arg18[%swap3A_133], %add3A_132 {strides = array<i32>} : memref<64xf32, #tpu.memory_space<vmem>>, vector<16xf32>,
      %sub3A_135 = arith.constant 1.000000e+00 : f32
      %sub3A_136 = vector.broadcast %sub3A_135 : f32 to vector<16xf32>
      %sub3A_137 = arith.subf %sub3A_136, %gather3A_26 : vector<16xf32>
      %mul3A_138 = arith.mulf %sub3A_137, %exp3A_57 : vector<16xf32>
      %mul3A_139 = arith.mulf %gather3A_26, %get3A_66 : vector<16xf32>
      %add3A_140 = arith.addf %mul3A_138, %mul3A_139 : vector<16xf32>
      %mul3A_141 = arith.mulf %add3A_140, %div3A : vector<16xf32>
      %sub3A_142 = arith.constant 1.000000e+00 : f32
      %sub3A_143 = vector.broadcast %sub3A_142 : f32 to vector<16xf32>
      %sub3A_144 = arith.subf %sub3A_143, %gather3A_25 : vector<16xf32>
      %mul3A_145 = arith.mulf %sub3A_144, %exp3A_57 : vector<16xf32>
      %mul3A_146 = arith.mulf %gather3A_25, %get3A_66 : vector<16xf32>
      %add3A_147 = arith.addf %mul3A_145, %mul3A_146 : vector<16xf32>
      %swap3A_148 = arith.constant 48 : index
      %swap3A_149 = tpu.vector_load %arg18[%swap3A_148] {strides = array<i32>} : memref<64xf32, #tpu.memory_space<vmem>>, vector<16xf32>,
      tpu.vector_store %arg18[%swap3A_148], %add3A_147 {strides = array<i32>} : memref<64xf32, #tpu.memory_space<vmem>>, vector<16xf32>,
      %max3A = arith.maxsi %squeeze3A, %mul3A_2 : i32
      %add3A_150 = arith.constant 64 : i32
      %add3A_151 = arith.addi %squeeze3A, %add3A_150 : i32
      %add3A_152 = arith.constant 32 : i32
      %add3A_153 = arith.addi %mul3A_2, %add3A_152 : i32
      %min3A = arith.minsi %add3A_151, %add3A_153 : i32
      %add3A_154 = arith.constant 0 : i32
      %add3A_155 = arith.addi %squeeze3A_24, %add3A_154 : i32
      %add3A_156 = vector.broadcast %add3A_155 : i32 to vector<16xi32>
      %add3A_157 = arith.addi %add3A_156, %iota3A : vector<16xi32>
      %add3A_158 = arith.constant 16 : i32
      %add3A_159 = arith.addi %squeeze3A_24, %add3A_158 : i32
      %add3A_160 = vector.broadcast %add3A_159 : i32 to vector<16xi32>
      %add3A_161 = arith.addi %add3A_160, %iota3A : vector<16xi32>
      %add3A_162 = arith.constant 32 : i32
      %add3A_163 = arith.addi %squeeze3A_24, %add3A_162 : i32
      %add3A_164 = vector.broadcast %add3A_163 : i32 to vector<16xi32>
      %add3A_165 = arith.addi %add3A_164, %iota3A : vector<16xi32>
      %add3A_166 = arith.constant 48 : i32
      %add3A_167 = arith.addi %squeeze3A_24, %add3A_166 : i32
      %add3A_168 = vector.broadcast %add3A_167 : i32 to vector<16xi32>
      %add3A_169 = arith.addi %add3A_168, %iota3A : vector<16xi32>
      %parallel_loop3A_170 = arith.constant 1 : i32
      scf.for %parallel_loop3A_171 = %max3A to %min3A step %parallel_loop3A_170  : i32 {
        %parallel_loop3A_172 = arith.subi %parallel_loop3A_171, %squeeze3A : i32
        %parallel_loop3A_173 = vector.broadcast %parallel_loop3A_172 : i32 to vector<16xi32>
        %parallel_loop3A_174 = tpu.vector_load_idx %arg18[%parallel_loop3A_173] : memref<64xf32, #tpu.memory_space<vmem>>[vector<16xi32>], vector<16xf32>,
        %parallel_loop3A_175 = arith.subi %parallel_loop3A_171, %mul3A_2 : i32
        %parallel_loop3A_176 = arith.constant 1024 : i32
        %parallel_loop3A_177 = arith.muli %parallel_loop3A_175, %parallel_loop3A_176 : i32
        %parallel_loop3A_178 = vector.broadcast %parallel_loop3A_177 : i32 to vector<16xi32>
        %parallel_loop3A_179 = arith.addi %add3A_157, %parallel_loop3A_178 : vector<16xi32>
        %parallel_loop3A_180 = arith.mulf %parallel_loop3A_174, %mul3A_96 : vector<16xf32>
        tpu.vector_store_idx %arg20[%parallel_loop3A_179], %parallel_loop3A_180 {add = true} : memref<32768xf32, #tpu.memory_space<vmem>>[vector<16xi32>], vector<16xf32>,
        %parallel_loop3A_181 = vector.broadcast %parallel_loop3A_177 : i32 to vector<16xi32>
        %parallel_loop3A_182 = arith.addi %add3A_161, %parallel_loop3A_181 : vector<16xi32>
        %parallel_loop3A_183 = arith.mulf %parallel_loop3A_174, %mul3A_111 : vector<16xf32>
        tpu.vector_store_idx %arg20[%parallel_loop3A_182], %parallel_loop3A_183 {add = true} : memref<32768xf32, #tpu.memory_space<vmem>>[vector<16xi32>], vector<16xf32>,
        %parallel_loop3A_184 = vector.broadcast %parallel_loop3A_177 : i32 to vector<16xi32>
        %parallel_loop3A_185 = arith.addi %add3A_165, %parallel_loop3A_184 : vector<16xi32>
        %parallel_loop3A_186 = arith.mulf %parallel_loop3A_174, %mul3A_126 : vector<16xf32>
        tpu.vector_store_idx %arg20[%parallel_loop3A_185], %parallel_loop3A_186 {add = true} : memref<32768xf32, #tpu.memory_space<vmem>>[vector<16xi32>], vector<16xf32>,
        %parallel_loop3A_187 = vector.broadcast %parallel_loop3A_177 : i32 to vector<16xi32>
        %parallel_loop3A_188 = arith.addi %add3A_169, %parallel_loop3A_187 : vector<16xi32>
        %parallel_loop3A_189 = arith.mulf %parallel_loop3A_174, %mul3A_141 : vector<16xf32>
        tpu.vector_store_idx %arg20[%parallel_loop3A_188], %parallel_loop3A_189 {add = true} : memref<32768xf32, #tpu.memory_space<vmem>>[vector<16xi32>], vector<16xf32>,
      } {sc.loop_unroll_factor = 4 : i64, sc.parallel_access}
    }
    %mul3A_17 = arith.constant 1024 : i32
    %mul3A_18 = arith.muli %mul3A_2, %mul3A_17 : i32
    "tpu.region"() ({
      %run_scoped3A = tpu.sem_alloc : memref<!tpu.dma_semaphore, #tpu.memory_space<semaphore_mem>>
      %dma_start3A = tpu.memref_slice %arg7[%mul3A_18] : memref<1048576xf32, #tpu.memory_space<hbm>> -> memref<32768xf32, #tpu.memory_space<hbm>>
      %dma_start3A_19 = tpu.memref_slice %arg7[%mul3A_18] : memref<1048576xf32, #tpu.memory_space<hbm>> -> memref<32768xf32, #tpu.memory_space<hbm>>
      tpu.enqueue_dma source(%arg20 : memref<32768xf32, #tpu.memory_space<vmem>>) target(%dma_start3A_19 : memref<32768xf32, #tpu.memory_space<hbm>>) target_semaphore(%run_scoped3A : memref<!tpu.dma_semaphore, #tpu.memory_space<semaphore_mem>>)
      %dma_wait3A = tpu.memref_slice %arg7[%mul3A_18] : memref<1048576xf32, #tpu.memory_space<hbm>> -> memref<32768xf32, #tpu.memory_space<hbm>>
      %dma_wait3A_20 = tpu.memref_slice %arg7[%mul3A_18] : memref<1048576xf32, #tpu.memory_space<hbm>> -> memref<32768xf32, #tpu.memory_space<hbm>>
      tpu.wait_dma2 semaphore(%run_scoped3A : memref<!tpu.dma_semaphore, #tpu.memory_space<semaphore_mem>>) src(%arg20 : memref<32768xf32, #tpu.memory_space<vmem>>) dst(%dma_wait3A_20 : memref<32768xf32, #tpu.memory_space<hbm>>)
      tpu.yield
    }) : () -> ()
    return
  }
}

</mosaic_0001>

<sc_bundles>
// kernel: kernel.3.cloned.1.call-start
scs
__scs_entry_jumppad:
0x0: {  	(pc) =	sbr.rel $0x88, $3  }
0x1: {  	(tag) =	ssettag $0x0;
	lr =	simm.s32 $0x1  }
0x2: {  	[smem:$0x3F9F] =	sst lr;
	_ =	strace $0xD0000000  }
0x3: {  	_ = 	snop  }
0x4: {  	_ = 	snop  }
0x5: {  	_ = 	snop  }
0x6: {  	_ = 	snop  }
0x7: {  	_ = 	snop  }
__scs_overlays_trampoline_lowered:
0x8: {  	[smem:$0x3FAE] =	sst s0  }
0x9: {  	[smem:$0x3FAF] =	sst s1  }
0xa: {  	[smem:$0x3FB0] =	sst s2  }
0xb: {  	[smem:$0x3FB1] =	sst s3  }
0xc: {  	[smem:$0x3FB2] =	sst s4  }
0xd: {  	[smem:$0x3FB3] =	sst s5  }
0xe: {  	[smem:$0x3FB4] =	sst s6  }
0xf: {  	[smem:$0x3FB5] =	sst s7  }
0x10: {  	[smem:$0x3FB6] =	sst s8  }
0x11: {  	[smem:$0x3FB7] =	sst s9;
	s0 =	simm.s32 @!p0 $0x0  }
0x12: {  	s1 =	sld [smem:$0x3F9D];
	s0 =	simm.s32 @p0 $0x1  }
0x13: {  	[smem:$0x3FB8] =	sst s0;
	s0 =	simm.s32 @!p1 $0x0  }
0x14: {  	s2 =	sld [smem:$0x3F9C];
	s0 =	simm.s32 @p1 $0x1  }
0x15: {  	[smem:$0x3FB9] =	sst s0;
	s0 =	simm.s32 @!p2 $0x0  }
0x16: {  	s3 =	sld [smem:$0x3FDB];
	s0 =	simm.s32 @p2 $0x1  }
0x17: {  	s4 =	simm.s32 $0x1BF5;
	[smem:$0x3FBB] =	sst s0  }
0x18: {  	s0 =	sld [smem:$0x3F9E];
	_ =	swait.ge [sflag:s4], $0x0  }
0x19: {  	s7 =	sld [smem:$0x3F9F]  }
0x1a: {  	s8 =	sadd.s32 $0xFFFFE003, lr  }
0x1b: {  	s9 =	sadd.s32 $0xFFFFFEF7, lr;
	s5 =	simm.s32 $0xFFFFFFFF;
	p2 =	slt.u32 s8, $0xFFFFF086  }
0x1c: {  	p1 =	slt.u32 s9, $0xF7A;
	s5 =	simm.s32 @!p2 $0x0  }
0x1d: {  	s5 =	simm.s32 @p1 $0x1;
	p0 =	seq.s32 s7, s2  }
0x1e: {  	s7 =	smul.u32 @!p0 $0xF7A, s2;
	p2 =	seq.s32 @!p0 s5, $0x0  }
0x1f: {  	s9 =	smul.u32 $0xF7A, s1;
	s8 =	simm.s32 @!p0 $0x1BF5;
	p2 =	por !p2, p0  }
0x20: {  	[sflag:s8] =	ssyncset.s32 @!p0 $0xFFFFF086;
	s6 =	sadd.s32 @!p0 s3, s7;
	s7 =	simm.s32 @!p0 $0x108  }
0x21: {  	s3 =	sadd.s32 s3, s9;
	s6 =	sadd.s32 @!p0 $0x88, s6;
	s7 =	simm.s32 @p2 $0x1082  }
0x22: {  	[simem:s7], [sflag:s8] =	dma.local @!p0 [hbm:s6], $0xF7A  }
0x23: {  	s9 =	sor.u32 $0xD0000000, s2;
	s6 =	simm.s32 $0x108;
	_ =	swait.ge @!p0 [sflag:s8], $0x0  }
0x24: {  	s3 =	sadd.s32 $0x88, s3;
	s6 =	simm.s32 @!p1 $0x1082;
	[sflag:s4] =	ssyncset.s32 $0xFFFFF086  }
0x25: {  	[simem:s6], [sflag:s4] =	dma.local [hbm:s3], $0xF7A  }
0x26: {  	[smem:$0x3F9F] =	sst s1;
	(tag) =	ssettag s2;
	_ =	strace s9  }
0x27: {  	s1 =	sld [smem:$0x3FAF]  }
0x28: {  	s2 =	sld [smem:$0x3FB0]  }
0x29: {  	s4 =	sld [smem:$0x3FB2]  }
0x2a: {  	p0 =	seq.s32 s5, $0x0;
	s5 =	sld [smem:$0x3FB3]  }
0x2b: {  	s6 =	sld [smem:$0x3FB4]  }
0x2c: {  	s7 =	sld [smem:$0x3FB5]  }
0x2d: {  	s3 =	simm.s32 $0x108;
	s8 =	sld [smem:$0x3FB6]  }
0x2e: {  	s3 =	simm.s32 @!p0 $0x1082;
	s9 =	sld [smem:$0x3FB7]  }
0x2f: {  	lr =	sadd.s32 s0, s3;
	s0 =	sld [smem:$0x3FAE]  }
0x30: {  	s3 =	sld [smem:$0x3FB1]  }
0x31: {  	[smem:$0x3FBA] =	sst s10  }
0x32: {  	s10 =	sld [smem:$0x3FB8];
	_ =	sdelay $0x3  }
0x33: {  	p0 =	seq.s32 s10, $0x1;
	s10 =	sld [smem:$0x3FBA];
	_ =	sdelay $0x3  }
0x34: {  	[smem:$0x3FBA] =	sst s10  }
0x35: {  	s10 =	sld [smem:$0x3FB9];
	_ =	sdelay $0x3  }
0x36: {  	p1 =	seq.s32 s10, $0x1;
	s10 =	sld [smem:$0x3FBA];
	_ =	sdelay $0x3  }
0x37: {  	[smem:$0x3FBA] =	sst s10  }
0x38: {  	s10 =	sld [smem:$0x3FBB]  }
0x39: {  	_ = 	snop;
	(pc) =	sbr.ind lr, $3  }
0x3a: {  	_ = 	snop  }
0x3b: {  	_ = 	snop  }
0x3c: {  	p2 =	seq.s32 s10, $0x1;
	s10 =	sld [smem:$0x3FBA]  }
0x3d: {  	_ =	shalt  }
0x3e: {  	_ =	shalt  }
0x3f: {  	_ =	shalt  }
0x40: {  	_ =	shalt  }
0x41: {  	_ =	shalt  }
0x42: {  	_ =	shalt  }
0x43: {  	_ =	shalt  }
0x44: {  	_ =	shalt  }
0x45: {  	_ =	shalt  }
0x46: {  	_ =	shalt  }
0x47: {  	_ =	shalt  }
0x48: {  	_ =	shalt  }
0x49: {  	_ =	shalt  }
0x4a: {  	_ =	shalt  }
0x4b: {  	_ =	shalt  }
0x4c: {  	_ =	shalt  }
0x4d: {  	_ =	shalt  }
0x4e: {  	_ =	shalt  }
0x4f: {  	_ =	shalt  }
0x50: {  	_ =	shalt  }
0x51: {  	_ =	shalt  }
0x52: {  	_ =	shalt  }
0x53: {  	_ =	shalt  }
0x54: {  	_ =	shalt  }
0x55: {  	_ =	shalt  }
0x56: {  	_ =	shalt  }
0x57: {  	_ =	shalt  }
0x58: {  	_ =	shalt  }
0x59: {  	_ =	shalt  }
0x5a: {  	_ =	shalt  }
0x5b: {  	_ =	shalt  }
0x5c: {  	_ =	shalt  }
0x5d: {  	_ =	shalt  }
0x5e: {  	_ =	shalt  }
0x5f: {  	_ =	shalt  }
0x60: {  	_ =	shalt  }
0x61: {  	_ =	shalt  }
0x62: {  	_ =	shalt  }
0x63: {  	_ =	shalt  }
0x64: {  	_ =	shalt  }
0x65: {  	_ =	shalt  }
0x66: {  	_ =	shalt  }
0x67: {  	_ =	shalt  }
0x68: {  	_ =	shalt  }
0x69: {  	_ =	shalt  }
0x6a: {  	_ =	shalt  }
0x6b: {  	_ =	shalt  }
0x6c: {  	_ =	shalt  }
0x6d: {  	_ =	shalt  }
0x6e: {  	_ =	shalt  }
0x6f: {  	_ =	shalt  }
0x70: {  	_ =	shalt  }
0x71: {  	_ =	shalt  }
0x72: {  	_ =	shalt  }
0x73: {  	_ =	shalt  }
0x74: {  	_ =	shalt  }
0x75: {  	_ =	shalt  }
0x76: {  	_ =	shalt  }
0x77: {  	_ =	shalt  }
0x78: {  	_ =	shalt  }
0x79: {  	_ =	shalt  }
0x7a: {  	_ =	shalt  }
0x7b: {  	_ =	shalt  }
0x7c: {  	_ =	shalt  }
0x7d: {  	_ =	shalt  }
0x7e: {  	_ =	shalt  }
0x7f: {  	_ =	shalt  }
0x80: {  	_ =	shalt  }
0x81: {  	_ =	shalt  }
0x82: {  	_ =	shalt  }
0x83: {  	_ =	shalt  }
0x84: {  	_ =	shalt  }
0x85: {  	_ =	shalt  }
0x86: {  	_ =	shalt  }
0x87: {  	_ =	shalt  }
.Lfunc_end0:
.L_simem_size_0:
called_computation_lowered:
.L_overlay_start_0:
0x88: {  	s2 =	sld [smem:$0x3FD9]  }
0x89: {  	s3 =	sld [smem:$0x3FFE];
	_ =	sdelay $0x1  }
0x8a: {  	s1 =	srdreg.scid  }
0x8b: {  	s0 =	sand.u32 $0x1, s1  }
0x8c: {  	s14 =	sshll.u32 s0, $0xA;
	s2 =	sadd.s32 s3, s2  }
0x8d: {  	s2 =	sadd.s32 s2, s14  }
0x8e: {  	[smem:$0x3FC6] =	sst s2  }
0x8f: {  	_ = 	snop  }
0x90: {  	s2 =	sld [smem:$0x3FD0];
	_ =	sdelay $0x2  }
0x91: {  	s4 =	simm.s32 $0xA;
	s5 =	simm.s32 $0x10;
	s15 =	sld [smem:$0x3FC8]  }
0x92: {  	[smem:s5], [sflag:s4] =	dma.local [hbm:s2], $0x1  }
0x93: {  	_ =	swait.eq [sflag:s4], $0x1  }
0x94: {  	[sflag:s4] =	ssyncset.done $0x0  }
0x95: {  	s16 =	sld [smem:$0x10];
	[sflag:s4] =	ssyncadd.s32 $0xFFFFFFFF  }
0x96: {  	s17 =	sld [smem:$0x11];
	(tm) =	ssettm $0x1  }
0x97: {  	s18 =	sld [smem:$0x3FFB];
	_ =	sdelay $0x3  }
0x98: {  	_ =	strace s18  }
0x99: {  	s5 =	sld [smem:$0x3FFC];
	_ =	sdelay $0x3  }
0x9a: {  	_ =	strace s5  }
0x9b: {  	s5 =	sld [smem:$0x3FFD];
	_ =	sdelay $0x3  }
0x9c: {  	_ =	strace s5  }
0x9d: {  	_ =	strace $0x8FFFFFFF  }
0x9e: {  	s19 =	sld [smem:$0x3FDB];
	_ =	sdelay $0x1  }
0x9f: {  	s6 =	simm.s32 $_scs_section_size  }
0xa0: {  	s7 =	simm.s32 $_size__tile_overlayer_lowered;
	s8 =	simm.s32 $_tile_overlayer_lowered  }
0xa1: {  	s22 =	simm.s32 $0x1BFF;
	s21 =	sshll.u32 s8, $0x1;
	s5 =	sadd.s32 s6, s19  }
0xa2: {  	s9 =	simm.s32 $0x0;
	s20 =	sshll.u32 s7, $0x1;
	s7 =	sadd.s32 s21, s5  }
0xa3: {  	[timem:s9], [sflag:s22] =	dma.local [hbm:s7], s20  }
0xa4: {  	_ =	swait.ge [sflag:s22], s20  }
0xa5: {  	s6 =	ssub.s32 $0x0, s20;
	[sflag:s22] =	ssyncset.done $0x0  }
0xa6: {  	[sflag:s22] =	ssyncadd.s32 s6;
	_ =	sdelay $0x1  }
0xa7: {  	s23 =	simm.s32 $0x1B8B  }
0xa8: {  	_ =	swait.ge [sflag:s23], $0x1  }
0xa9: {  	[sflag:s23] =	ssyncset.done $0x0  }
0xaa: {  	s25 =	simm.s32 $0x1B8E;
	s24 =	sld [smem:$0x3FFE];
	[sflag:s23] =	ssyncadd.s32 $0xFFFFFFFF  }
0xab: {  	s26 =	simm.s32 $execute0_lowered;
	[smem:$0x3FD2] =	sst s25  }
0xac: {  	s7 =	sshll.u32 s26, $0x1;
	_ =	strace $0x80000046;
	[dreg:$0x1] =	wrdreg $0xFFFFFFFF  }
0xad: {  	s28 =	simm.s32 $_size_execute0_lowered;
	s5 =	sadd.s32 s5, s7;
	[dreg:$0x0] =	wrdreg $0x0  }
0xae: {  	s7 =	sshll.u32 s28, $0x1;
	[dreg:$0x2] =	wrdreg s5  }
0xaf: {  	[dreg:$0x3] =	wrdreg s7  }
0xb0: {  	[dreg:$0x4] =	wrdreg $0xC0  }
0xb1: {  	_ =	task [dreg:s9], $0x5FFFF  }
0xb2: {  	[dreg:$0x1] =	wrdreg $0xFFFFFFFF  }
0xb3: {  	[dreg:$0x0] =	wrdreg $0x60  }
0xb4: {  	[dreg:$0x2] =	wrdreg s24  }
0xb5: {  	[dreg:$0x3] =	wrdreg s17  }
0xb6: {  	[dreg:$0x4] =	wrdreg s15  }
0xb7: {  	[dreg:$0x5] =	wrdreg s16  }
0xb8: {  	[dreg:$0x6] =	wrdreg $0x9  }
0xb9: {  	_ =	task.clear_ibuf [dreg:s9], $0x7FFFF;
	_ =	strace $0x90000046  }
0xba: {  	s29 =	simm.s32 $0x9;
	_ =	strace $0x80000048  }
0xbb: {  	_ =	swait.ge [sflag:s29], $0x1  }
0xbc: {  	[sflag:s29] =	ssyncadd.s32 $0xFFFFFFFF  }
0xbd: {  	_ =	strace $0x90000048  }
0xbe: {  	_ =	sfence  }
0xbf: {  	s30 =	sld [smem:$0x0];
	_ =	sdelay $0x2  }
0xc0: {  	s31 =	sshll.u32 s1, $0xD;
	s1 =	sshrl.u32 s1, $0x2  }
0xc1: {  	s3 =	sand.u32 $0x4000, s31;
	s1 =	sadd.s32 s1, s30  }
0xc2: {  	s0 =	sor.u32 s3, s0;
	s1 =	sshll.u32 s1, $0x11  }
0xc3: {  	s0 =	sor.u32 s1, s0  }
0xc4: {  	s0 =	sadd.s32 $0x8F2B, s0  }
0xc5: {  	[sflag:s0] =	ssyncadd.remote.s32 $0x1  }
0xc6: {  	_ =	sfence.sel $0xFFFF  }
0xc7: {  	[dreg:$0x0] =	wrdreg $0xFFFFFFFF;
	(pc) =	sbr.abs _section_cstart, $3  }
0xc8: {  	[dreg:$0x1] =	wrdreg $0xFFFFFFFF  }
0xc9: {  	_ =	task.clear_ibuf [dreg:s9], $0x2FFFF;
	_ =	strace $0x9FFFFFFF  }
0xca: {  	(tm) =	ssettm $0x7FFFFFFF  }
0xcb: {  	_ =	shalt  }
tec
execute0_lowered:
.L_overlay_start_1:
0x0: {  	(tag) =	ssettag $0x1  }
0x1: {  	vm14 =	vcmask $0x300;
	v0 =	vimm.f32 $2.722500000e+02  }
0x2: {  	vm13 =	vcmask $0x704;
	vm12 =	vcmask $0xB08;
	vm11 =	vcmask $0xF0C  }
0x3: {  	vm10 =	vcmask $0x1310;
	vm9 =	vcmask $0x1714;
	vm8 =	vcmask $0x1B18  }
0x4: {  	vm7 =	vcmask $0x1F1C;
	vm6 =	vcmask $0x2320;
	vm5 =	vcmask $0x2724  }
0x5: {  	vm4 =	vcmask $0x2B28;
	vm3 =	vcmask $0x2F2C;
	vm2 =	vcmask $0x3330  }
0x6: {  	vm0 =	vcmask $0x3734;
	vm1 =	vcmask $0x3B38;
	v3 =	vimm.f32 $0.0e+00  }
0x7: {  	v5 =	vimm.f32 $2.500000000e-01;
	v6 =	vimm.f32 $2.402500000e+02;
	v7 =	vimm.f32 $9.922500000e+02  }
0x8: {  	v0 =	vsel vm14, $0x44781000, v0;
	v5 =	vsel vm14, $0x43704000, v5;
	v6 =	vsel vm14, $0x3E800000, v6  }
0x9: {  	v7 =	vsel vm14, $0x43882000, v7;
	v0 =	vsel vm13, $0x44689000, v0;
	v5 =	vsel vm13, $0x43524000, v5  }
0xa: {  	v6 =	vsel vm13, $0x40100000, v6;
	v7 =	vsel vm13, $0x43992000, v7;
	v0 =	vsel vm12, $0x44599000, v0  }
0xb: {  	v5 =	vsel vm12, $0x43364000, v5;
	v6 =	vsel vm12, $0x40C80000, v6;
	v7 =	vsel vm12, $0x43AB2000, v7  }
0xc: {  	v0 =	vsel vm11, $0x444B1000, v0;
	v5 =	vsel vm11, $0x431C4000, v5;
	v6 =	vsel vm11, $0x41440000, v6  }
0xd: {  	s0 =	srdreg.scid;
	v7 =	vsel vm11, $0x43BE2000, v7;
	v0 =	vsel vm10, $0x443D1000, v0;
	v5 =	vsel vm10, $0x43044000, v5  }
0xe: {  	s8 =	stileid.u32;
	s4 =	rddreg [dreg:$0x0];
	s7 =	simm.s32 $0x0;
	v6 =	vsel vm10, $0x41A20000, v6;
	v7 =	vsel vm10, $0x43D22000, v7;
	v0 =	vsel vm9, $0x442F9000, v0  }
0xf: {  	s15 =	simm.s32 $0x2980;
	s17 =	simm.s32 $0x400;
	s18 =	simm.s32 $0x800;
	v5 =	vsel vm9, $0x42DC8000, v5;
	v6 =	vsel vm9, $0x41F20000, v6;
	v7 =	vsel vm9, $0x43E72000, v7  }
0x10: {  	s19 =	simm.s32 $0xC00;
	s20 =	simm.s32 $0x1000;
	s21 =	simm.s32 $0x1400;
	v0 =	vsel vm8, $0x44229000, v0;
	v5 =	vsel vm8, $0x42B48000, v5;
	v6 =	vsel vm8, $0x42290000, v6  }
0x11: {  	s22 =	simm.s32 $0x1800;
	s28 =	simm.s32 $0x2880;
	s2 =	sand.u32 $0x1, s0;
	v7 =	vsel vm8, $0x43FD2000, v7;
	v0 =	vsel vm7, $0x44161000, v0;
	v5 =	vsel vm7, $0x42908000, v5  }
0x12: {  	s23 =	sshll.u32 s8, $0x1;
	[smem:$0x7FF] =	sst s7;
	s6 =	sadd.s32 $0xA00, s4;
	v6 =	vsel vm7, $0x42610000, v6;
	v7 =	vsel vm7, $0x440A1000, v7;
	v0 =	vsel vm6, $0x440A1000, v0  }
0x13: {  	s9 =	sadd.s32 $0x800, s4;
	s29 =	sshll.u32 s8, $0x10;
	s31 =	sshll.u32 s8, $0x6;
	v5 =	vsel vm6, $0x42610000, v5;
	v6 =	vsel vm6, $0x42908000, v6;
	v7 =	vsel vm6, $0x44161000, v7  }
0x14: {  	s3 =	sor.u32 s2, s23;
	_ =	strace $0x80000047;
	[dreg:$0x5] =	wrdreg s6;
	v0 =	vsel vm5, $0x43FD2000, v0;
	v5 =	vsel vm5, $0x42290000, v5;
	v6 =	vsel vm5, $0x42B48000, v6  }
0x15: {  	s5 =	ssub.s32 $0x2, s2;
	[dreg:$0x6] =	wrdreg s9;
	s1 =	sshll.u32 s3, $0x5;
	v7 =	vsel vm5, $0x44229000, v7;
	v0 =	vsel vm4, $0x43E72000, v0;
	v5 =	vsel vm4, $0x41F20000, v5  }
0x16: {  	s30 =	sshll.u32 s2, $0xF;
	s2 =	sshll.u32 s2, $0x5;
	s0 =	sadd.s32 $0x20, s1;
	v6 =	vsel vm4, $0x42DC8000, v6;
	v7 =	vsel vm4, $0x442F9000, v7;
	v1 =	vsel vm3, $0x43D22000, v0  }
0x17: {  	s12 =	ssub.s32 $0x0, s29;
	s23 =	simm.s32 $0x1C00;
	s3 =	sshll.u32 s3, $0xC;
	v0 =	vmov s0;
	v5 =	vsel vm3, $0x41A20000, v5;
	v6 =	vsel vm3, $0x43044000, v6  }
.Ltmp0:
0x18: {  	s24 =	sshrl.u32 s5, $0x1;
	s13 =	ssub.s32 $0x0, s30;
	v7 =	vsel vm3, $0x443D1000, v7;
	v2 =	vsel vm2, $0x43BE2000, v1;
	v1 =	vmov s1;
	(pc) =	sbr.rel .LBB2_1-.Ltmp0, $4  }
0x19: {  	s2 =	sor.u32 s31, s2;
	s3 =	sadd.s32 s3, s4;
	s25 =	ssub.s32 s5, s24;
	v5 =	vsel vm2, $0x41440000, v5;
	v6 =	vsel vm2, $0x431C4000, v6;
	v7 =	vsel vm2, $0x444B1000, v7  }
0x1a: {  	s14 =	ssub.s32 $0x0, s2;
	s4 =	simm.s32 $0x2;
	s3 =	sadd.s32 $0xC00, s3;
	v4 =	vsel vm0, $0x43AB2000, v2;
	v2 =	vlaneseq.u32;
	v5 =	vsel vm0, $0x40C80000, v5  }
0x1b: {  	s24 =	simm.s32 $0x2000;
	s26 =	smax.u32 s25, $0x1;
	[dreg:$0x7] =	wrdreg s3;
	v6 =	vsel vm0, $0x43364000, v6;
	v7 =	vsel vm0, $0x44599000, v7;
	v4 =	vsel vm1, $0x43992000, v4  }
0x1c: {  	[dreg:$0x8] =	wrdreg s26;
	s26 =	simm.s32 $0x2400;
	s3 =	simm.s32 $0x0;
	v5 =	vsel vm1, $0x40100000, v5;
	v6 =	vsel vm1, $0x43524000, v6;
	v7 =	vsel vm1, $0x44689000, v7  }
.LBB2_12:
0x1d: {  	s2 =	rddreg [dreg:$0x7];
	s4 =	simm.s32 $0x2  }
0x1e: {  	[hbm4b:s2+s7] =	stream.linear.scatter [tilespmem:s15], [sflag:$0x2], $0x8000, $0x38;
	[tilespmem:$0xA980] =	vst v63  }
0x1f: {  	_ =	swait.ge [sflag:s4], $0x8000  }
0x20: {  	s3 =	rddreg [dreg:$0x9]  }
0x21: {  	s31 =	rddreg [dreg:$0x8];
	s3 =	sadd.s32 $0x1, s3  }
0x22: {  	p0 =	sne.s32 s3, s31  }
.Ltmp1:
0x23: {  	_ = 	snop;
	(pc) =	sbr.rel @!p0 .LBB2_13-.Ltmp1, $3  }
0x24: {  	_ =	sdelay $0x1  }
0x25: {  	[sflag:s4] =	ssyncset.done $0x0  }
0x26: {  	[sflag:s4] =	ssyncadd.s32 $0xFFFF8000  }
.LBB2_1:
0x27: {  	[dreg:$0x9] =	wrdreg s3  }
0x28: {  	s2 =	rddreg [dreg:$0x3]  }
0x29: {  	[tilespmem:s15], [sflag:$0x1] =	stream.linear.gather [hbm4b:s2+s7], $0x8000, $0x38;
	[tilespmem:$0xA980] =	vst v63  }
0x2a: {  	s3 =	rddreg [dreg:$0x5]  }
0x2b: {  	[tilespmem:s7], [sflag:$0x2] =	stream.linear.gather [hbm4b:s3+s7], $0x400, $0x38;
	[tilespmem:$0xA980] =	vst v63  }
0x2c: {  	_ =	swait.ge [sflag:s4], $0x400  }
0x2d: {  	[sflag:s4] =	ssyncset.done $0x0  }
0x2e: {  	s5 =	rddreg [dreg:$0x6];
	[sflag:s4] =	ssyncadd.s32 $0xFFFFFC00  }
0x2f: {  	[tilespmem:s17], [sflag:$0x2] =	stream.linear.gather [hbm4b:s5+s7], $0x400, $0x38;
	[tilespmem:$0xA980] =	vst v63  }
0x30: {  	_ =	swait.ge [sflag:s4], $0x400  }
0x31: {  	[sflag:s4] =	ssyncset.done $0x0  }
0x32: {  	[sflag:s4] =	ssyncadd.s32 $0xFFFFFC00  }
0x33: {  	s6 =	rddreg [dreg:$0x1]  }
0x34: {  	[tilespmem:s18], [sflag:$0x2] =	stream.linear.gather [hbm4b:s6+s7], $0x400, $0x38;
	[tilespmem:$0xA980] =	vst v63  }
0x35: {  	_ =	swait.ge [sflag:s4], $0x400  }
0x36: {  	[sflag:s4] =	ssyncset.done $0x0  }
0x37: {  	[sflag:s4] =	ssyncadd.s32 $0xFFFFFC00  }
0x38: {  	s8 =	simm.s32 $0x10;
	v11 =	vor.u32 s7, v2;
	s9 =	rddreg [dreg:$0x2]  }
0x39: {  	v13 =	vor.u32 s8, v2;
	[tilespmem:s19], [sflag:$0x2] =	stream.linear.gather [hbm4b:s9+s7], $0x400, $0x38;
	[tilespmem:$0xA980] =	vst v63  }
0x3a: {  	_ =	swait.ge [sflag:s4], $0x400  }
0x3b: {  	[sflag:s4] =	ssyncset.done $0x0  }
0x3c: {  	[sflag:s4] =	ssyncadd.s32 $0xFFFFFC00  }
0x3d: {  	v8 =	vld.idx.msk [tilespmem:v11+s17+$0x0], $0xffff  }
0x3e: {  	v10 =	vld.idx.msk [tilespmem:v13+s18+$0x0], $0xffff  }
0x3f: {  	v12 =	vld.idx.msk [tilespmem:v11+s18+$0x0], $0xffff  }
0x40: {  	v14 =	vld.idx.msk [tilespmem:v13+s7+$0x0], $0xffff  }
0x41: {  	v16 =	vld.idx.msk [tilespmem:v11+s7+$0x0], $0xffff  }
0x42: {  	v9 =	vld.idx.msk [tilespmem:v13+s17+$0x0], $0xffff;
	_ =	sdelay $0x2  }
0x43: {  	v15 =	vadd.f32 $4.800000000e+02, v8;
	v10 =	vand.u32 $0x7FFFFFFF, v10;
	v17 =	vand.u32 $0x7FFFFFFF, v12  }
0x44: {  	v14 =	vadd.f32 $4.800000000e+02, v14;
	v16 =	vadd.f32 $4.800000000e+02, v16;
	v10 =	vmul.f32 $3.000000000e+00, v10  }
0x45: {  	s11 =	simm.s32 $0x30;
	v9 =	vadd.f32 $4.800000000e+02, v9;
	v17 =	vmul.f32 $3.000000000e+00, v17;
	v8 =	vtrunc.f32 v15  }
0x46: {  	v12 =	vor.u32 s11, v2;
	v23 =	vtrunc.f32 v16;
	v25 =	vtrunc.f32 v14  }
0x47: {  	v18 =	vcvt.f32.s32 v8;
	v8 =	vtrunc.f32 v9;
	v10 =	vadd.f32 $1.500000000e+00, v10  }
0x48: {  	s10 =	simm.s32 $0x20;
	v17 =	vadd.f32 $1.500000000e+00, v17;
	v25 =	vcvt.f32.s32 v25;
	v19 =	vcvt.f32.s32 v8  }
0x49: {  	v8 =	vor.u32 s10, v2;
	v20 =	vadd.s32 $0x40, v18;
	vm0 =	vgt.s32 v0, v18  }
0x4a: {  	v24 =	vadd.f32 v10, v10;
	v27 =	vadd.f32 v17, v17;
	vm1 =	vgt.s32 v20, v1  }
0x4b: {  	v28 =	vld.idx.msk [tilespmem:v12+s18+$0x0], $0xffff;
	v29 =	vcvt.s32.f32 v18;
	v20 =	vadd.s32 $0x40, v19;
	vm0 =	vmand vm0, vm1  }
0x4c: {  	vm1 =	vgt.s32 v0, v19;
	vm2 =	vgt.s32 v20, v1;
	v10 =	vmul.f32 v24, v10  }
0x4d: {  	v26 =	vld.idx.msk [tilespmem:v12+s17+$0x0], $0xffff;
	v24 =	vcvt.s32.f32 v19;
	v20 =	vmpcnt.ones.xlane vm0;
	vm1 =	vmand vm1, vm2  }
0x4e: {  	v17 =	vmul.f32 v27, v17;
	v21 =	vmpcnt.ones.xlane vm1;
	v22 =	vld.idx.msk [tilespmem:v8+s17+$0x0], $0xffff  }
0x4f: {  	[tilespmem:v11+s20+$0x0] =	vst.idx.msk $0xffff, v18;
	v27 =	vcvt.s32.f32 v25;
	v24 =	vsub.f32 v9, v24;
	(v2sf) =	vpush v20, $0x0;
	v20 =	vld.idx.msk [tilespmem:v8+s18+$0x0], $0xffff  }
0x50: {  	[tilespmem:v13+s20+$0x0] =	vst.idx.msk $0xffff, v19;
	(erf) = vrcp.f32 v10;
	v10 =	vand.u32 $0x7FFFFFFF, v28;
	(v2sf) =	vpush v21, $0x0;
	v21 =	vld.idx.msk [tilespmem:v12+s7+$0x0], $0xffff  }
0x51: {  	v23 =	vcvt.f32.s32 v23;
	[tilespmem:v13+s21+$0x0] =	vst.idx.msk $0xffff, v25;
	v14 =	vsub.f32 v14, v27;
	v27 =	vmul.f32 $3.000000000e+00, v10  }
0x52: {  	(erf) = vrcp.f32 v17;
	v17 =	vadd.f32 $4.800000000e+02, v26;
	v26 =	vsub.f32 v15, v29;
	[tilespmem:v13+s22+$0x0] =	vst.idx.msk $0xffff, v24  }
0x53: {  	s25 =	simm.s32 $0x50;
	vm3 =	vmmov vm1;
	[tilespmem:v13+s23+$0x0] =	vst.idx.msk $0xffff, v14;
	v14 =	vadd.f32 $1.500000000e+00, v27;
	v30 =	vadd.f32 $4.800000000e+02, v22  }
0x54: {  	[tilespmem:v11+s21+$0x0] =	vst.idx.msk $0xffff, v23;
	v10 =	vor.u32 s25, v2;
	v22 =	vcvt.s32.f32 v23;
	v15 =	vand.u32 $0x7FFFFFFF, v20  }
0x55: {  	[tilespmem:v11+s22+$0x0] =	vst.idx.msk $0xffff, v26;
	v26 =	vadd.f32 v14, v14;
	v9 =	vtrunc.f32 v30;
	v21 =	vadd.f32 $4.800000000e+02, v21  }
0x56: {  	s16 =	simm.s32 $0x40;
	v22 =	vsub.f32 v16, v22;
	v20 =	vcvt.f32.s32 v9;
	v9 =	vtrunc.f32 v17  }
0x57: {  	v18 =	vld.idx.msk [tilespmem:v8+s7+$0x0], $0xffff;
	v14 =	vmul.f32 v26, v14;
	v28 =	vcvt.f32.s32 v9;
	v9 =	vor.u32 s16, v2  }
0x58: {  	v24 =	vtrunc.f32 v21;
	v29 =	vadd.s32 $0x40, v20;
	vm2 =	vgt.s32 v0, v20  }
0x59: {  	v24 =	vcvt.f32.s32 v24;
	vm4 =	vgt.s32 v29, v1;
	v19 =	vadd.s32 $0x40, v28  }
0x5a: {  	vm1 =	vmand vm2, vm4;
	vm2 =	vgt.s32 v0, v28;
	vm15 =	vgt.s32 v19, v1  }
0x5b: {  	v19 =	vmul.f32 $3.000000000e+00, v15;
	v23 =	vmpcnt.ones.xlane vm1;
	vm2 =	vmand vm2, vm15  }
0x5c: {  	v31 =	vld.idx.msk [tilespmem:v10+s18+$0x0], $0xffff;
	v26 =	vcvt.s32.f32 v28;
	v15 =	vadd.f32 $4.800000000e+02, v18;
	v18 =	vmpcnt.ones.xlane vm2  }
0x5d: {  	[tilespmem:v12+s20+$0x0] =	vst.idx.msk $0xffff, v28;
	v19 =	vadd.f32 $1.500000000e+00, v19;
	(v2sf) =	vpush v23, $0x0;
	v23 =	vld.idx.msk [tilespmem:v9+s17+$0x0], $0xffff  }
0x5e: {  	[tilespmem:v12+s21+$0x0] =	vst.idx.msk $0xffff, v24;
	v24 =	vcvt.s32.f32 v24;
	v29 =	vpop (erf);
	v17 =	vsub.f32 v17, v26;
	(v2sf) =	vpush v18, $0x0;
	v18 =	vld.idx.msk [tilespmem:v10+s17+$0x0], $0xffff  }
0x5f: {  	v25 =	vtrunc.f32 v15;
	v16 =	vxor.u32 $0x80000000, v29;
	v27 =	vadd.f32 v19, v19  }
0x60: {  	(erf) = vrcp.f32 v14;
	v29 =	vld.idx.msk [tilespmem:v10+s7+$0x0], $0xffff;
	v25 =	vcvt.f32.s32 v25;
	[tilespmem:v13+s24+$0x0] =	vst.idx.msk $0xffff, v16;
	s29 =	spop (v2sf)  }
0x61: {  	vm0 =	vmmov vm0;
	v28 =	vld.idx.msk [tilespmem:v9+s18+$0x0], $0xffff;
	[tilespmem:v12+s22+$0x0] =	vst.idx.msk $0xffff, v17;
	s2 =	sadd.s32 $0x0, s29;
	v19 =	vmul.f32 v27, v19;
	v27 =	vcvt.s32.f32 v20  }
0x62: {  	v17 =	vand.u32 $0x7FFFFFFF, v31;
	[tilespmem:s2+$0x2400] =	vst.msk vm3, v13;
	v13 =	vsub.f32 v21, v24;
	v16 =	vadd.f32 $4.800000000e+02, v23  }
0x63: {  	[tilespmem:v8+s20+$0x0] =	vst.idx.msk $0xffff, v20;
	v14 =	vpop (erf);
	(erf) = vrcp.f32 v19;
	v19 =	vadd.f32 $4.800000000e+02, v18;
	v18 =	vsub.f32 v30, v27  }
0x64: {  	[tilespmem:v8+s21+$0x0] =	vst.idx.msk $0xffff, v25;
	v20 =	vcvt.s32.f32 v25;
	v24 =	vxor.u32 $0x80000000, v14;
	v14 =	vtrunc.f32 v16  }
0x65: {  	s5 =	simm.s32 $0x70;
	v21 =	vadd.f32 $4.800000000e+02, v29;
	[tilespmem:v12+s23+$0x0] =	vst.idx.msk $0xffff, v13;
	v23 =	vcvt.f32.s32 v14;
	v14 =	vtrunc.f32 v19  }
0x66: {  	s31 =	simm.s32 $0x60;
	v26 =	vld.idx.msk [tilespmem:v9+s7+$0x0], $0xffff;
	s30 =	spop (v2sf);
	v13 =	vor.u32 s5, v2;
	v27 =	vand.u32 $0x7FFFFFFF, v28;
	[tilespmem:v8+s22+$0x0] =	vst.idx.msk $0xffff, v18;
	v25 =	vcvt.f32.s32 v14  }
0x67: {  	s3 =	simm.s32 $0x0;
	s4 =	simm.s32 $0x80;
	s2 =	sadd.s32 s2, s30;
	v28 =	vmul.f32 $3.000000000e+00, v17;
	v17 =	vmovc v10;
	v14 =	vor.u32 s31, v2;
	[tilespmem:v9+s20+$0x0] =	vst.idx.msk $0xffff, v23;
	v29 =	vadd.s32 $0x40, v23;
	v18 =	vmovc v10  }
.LBB2_2:
0x68: {  	vm4 =	vgt.s32 v0, v23;
	vm5 =	vgt.s32 v29, v1;
	v30 =	vadd.s32 $0x40, v25  }
0x69: {  	p0 =	slt.u32 s4, $0x3E0;
	[tilespmem:v10+s20+$0x0] =	vst.idx.msk $0xffff, v25;
	vm6 =	vmmov vm0;
	vm0 =	vmmov vm1;
	vm3 =	vmmov vm2  }
0x6a: {  	vm2 =	vgt.s32 v0, v25;
	vm1 =	vmand vm4, vm5;
	vm4 =	vgt.s32 v30, v1;
	[tilespmem:v11+s23+$0x0] =	vst.idx.msk $0xffff, v22  }
0x6b: {  	v22 =	vmul.f32 $3.000000000e+00, v27;
	v27 =	vmpcnt.ones.xlane vm1;
	vm2 =	vmand vm2, vm4;
	v29 =	vpop (erf);
	[tilespmem:v11+s24+$0x0] =	vst.idx.msk $0xffff, v24  }
0x6c: {  	v24 =	vadd.f32 $4.800000000e+02, v26;
	v26 =	vadd.f32 $1.500000000e+00, v28;
	v28 =	vmpcnt.ones.xlane vm2;
	v30 =	vpop (erf);
	s5 =	spop (v2sf);
	[tilespmem:s3+$0x2400] =	vst.msk vm6, v11;
	s3 =	smov.u32 s2  }
0x6d: {  	v32 =	vadd.f32 $1.500000000e+00, v22;
	v22 =	vtrunc.f32 v21;
	v11 =	vmovc v8;
	v8 =	vmovc v9;
	v31 =	vld.idx.msk [tilespmem:v14+s17+$0x0], $0xffff;
	(v2sf) =	vpush v27, $0x0;
	s5 =	sadd.s32 s2, s5;
	s2 =	spop (v2sf)  }
0x6e: {  	v9 =	vmovc v14;
	v33 =	vtrunc.f32 v24;
	v34 =	vadd.f32 v26, v26;
	v27 =	vld.idx.msk [tilespmem:v13+s17+$0x0], $0xffff;
	(v2sf) =	vpush v28, $0x0;
	s2 =	sadd.s32 s5, s2  }
0x6f: {  	v36 =	vcvt.f32.s32 v22;
	v35 =	vadd.f32 v32, v32;
	v33 =	vcvt.f32.s32 v33;
	v28 =	vld.idx.msk [tilespmem:v13+s18+$0x0], $0xffff  }
0x70: {  	v25 =	vcvt.s32.f32 v25;
	v22 =	vsub.f32 v15, v20;
	v15 =	vmovc v24;
	v34 =	vmul.f32 v34, v26;
	v37 =	vld.idx.msk [tilespmem:v14+s18+$0x0], $0xffff  }
0x71: {  	v20 =	vxor.u32 $0x80000000, v29;
	v24 =	vmul.f32 v35, v32;
	v32 =	vcvt.s32.f32 v36;
	v38 =	vld.idx.msk [tilespmem:v13+s7+$0x0], $0xffff;
	[tilespmem:v10+s21+$0x0] =	vst.idx.msk $0xffff, v36  }
0x72: {  	v26 =	vld.idx.msk [tilespmem:v14+s7+$0x0], $0xffff;
	v14 =	vcvt.s32.f32 v23;
	v23 =	vsub.f32 v19, v25;
	(erf) = vrcp.f32 v34;
	[tilespmem:v12+s24+$0x0] =	vst.idx.msk $0xffff, v20  }
0x73: {  	v25 =	vadd.f32 $4.800000000e+02, v31;
	v20 =	vcvt.s32.f32 v33;
	(erf) = vrcp.f32 v24;
	[tilespmem:s5+$0x2400] =	vst.msk vm3, v12;
	v12 =	vmovc v10;
	v10 =	vmovc v13  }
.Ltmp2:
0x74: {  	v21 =	vsub.f32 v21, v32;
	v19 =	vadd.f32 $4.800000000e+02, v27;
	v24 =	vxor.u32 $0x80000000, v30;
	[tilespmem:v18+s22+$0x0] =	vst.idx.msk $0xffff, v23;
	v18 =	vmovc v13;
	(pc) =	sbr.rel @p0 .LBB2_2-.Ltmp2, $4  }
0x75: {  	v23 =	vtrunc.f32 v25;
	v28 =	vand.u32 $0x7FFFFFFF, v28;
	v14 =	vsub.f32 v16, v14;
	v16 =	vmovc v25;
	[tilespmem:v8+s21+$0x0] =	vst.idx.msk $0xffff, v33  }
0x76: {  	v27 =	vand.u32 $0x7FFFFFFF, v37;
	v23 =	vcvt.f32.s32 v23;
	v25 =	vtrunc.f32 v19;
	[tilespmem:v17+s23+$0x0] =	vst.idx.msk $0xffff, v21;
	v17 =	vmovc v13  }
0x77: {  	s5 =	sadd.s32 $0x10, s4;
	v28 =	vmul.f32 $3.000000000e+00, v28;
	v21 =	vadd.f32 $4.800000000e+02, v38;
	v25 =	vcvt.f32.s32 v25;
	[tilespmem:v8+s22+$0x0] =	vst.idx.msk $0xffff, v14  }
0x78: {  	v13 =	vor.u32 s5, v2;
	v14 =	vor.u32 s4, v2;
	s4 =	sadd.s32 $0x20, s4;
	v29 =	vadd.s32 $0x40, v23;
	[tilespmem:v9+s20+$0x0] =	vst.idx.msk $0xffff, v23  }
0x79: {  	vm3 =	vgt.s32 v0, v23;
	vm5 =	vgt.s32 v29, v1  }
0x7a: {  	v55 =	vadd.s32 $0x40, v25;
	vm4 =	vmmov vm0;
	vm1 =	vmmov vm1  }
0x7b: {  	vm8 =	vgt.s32 v0, v25;
	v27 =	vmul.f32 $3.000000000e+00, v27;
	v28 =	vadd.f32 $1.500000000e+00, v28  }
0x7c: {  	v26 =	vadd.f32 $4.800000000e+02, v26;
	vm2 =	vmmov vm2;
	v32 =	vtrunc.f32 v21  }
0x7d: {  	v60 =	vcvt.s32.f32 v25;
	v15 =	vsub.f32 v15, v20;
	vm15 =	vmand vm3, vm5  }
0x7e: {  	v30 =	vld.idx.msk [tilespmem:v14+s17+$0x0], $0xffff;
	vm9 =	vgt.s32 v55, v1;
	v32 =	vcvt.f32.s32 v32;
	vm1 =	vmmov vm1  }
0x7f: {  	v58 =	vld.idx.msk [tilespmem:v13+s17+$0x0], $0xffff;
	v56 =	vmpcnt.ones.xlane vm15;
	vm3 =	vmand vm8, vm9;
	v27 =	vadd.f32 $1.500000000e+00, v27  }
0x80: {  	v59 =	vld.idx.msk [tilespmem:v13+s18+$0x0], $0xffff;
	v57 =	vadd.f32 v28, v28;
	v33 =	vtrunc.f32 v26;
	v31 =	vmpcnt.ones.xlane vm3  }
0x81: {  	v36 =	vld.idx.msk [tilespmem:v14+s18+$0x0], $0xffff;
	v61 =	vpop (erf);
	v19 =	vsub.f32 v19, v60;
	v33 =	vcvt.f32.s32 v33;
	v63 =	vcvt.s32.f32 v32  }
0x82: {  	[tilespmem:v11+s23+$0x0] =	vst.idx.msk $0xffff, v22;
	v43 =	vld.idx.msk [tilespmem:v13+s7+$0x0], $0xffff;
	v22 =	vxor.u32 $0x80000000, v61;
	(v2sf) =	vpush v56, $0x0;
	v34 =	vadd.f32 v27, v27  }
0x83: {  	[tilespmem:v10+s20+$0x0] =	vst.idx.msk $0xffff, v25;
	v47 =	vld.idx.msk [tilespmem:v14+s7+$0x0], $0xffff;
	v37 =	vpop (erf);
	v28 =	vmul.f32 v57, v28;
	(v2sf) =	vpush v31, $0x0;
	v30 =	vadd.f32 $4.800000000e+02, v30  }
0x84: {  	[tilespmem:v11+s24+$0x0] =	vst.idx.msk $0xffff, v24;
	v40 =	vxor.u32 $0x80000000, v37;
	v38 =	vadd.f32 $4.800000000e+02, v58;
	v39 =	vsub.f32 v21, v63  }
0x85: {  	[tilespmem:s3+$0x2400] =	vst.msk vm4, v11;
	v41 =	vand.u32 $0x7FFFFFFF, v59;
	v62 =	vmul.f32 v34, v27;
	v34 =	vcvt.s32.f32 v23  }
0x86: {  	s8 =	spop (v2sf);
	[tilespmem:v10+s21+$0x0] =	vst.idx.msk $0xffff, v32;
	v11 =	vand.u32 $0x7FFFFFFF, v36;
	v45 =	vmul.f32 $3.000000000e+00, v41;
	v35 =	vtrunc.f32 v30  }
0x87: {  	s3 =	sadd.s32 s2, s8;
	[tilespmem:v12+s24+$0x0] =	vst.idx.msk $0xffff, v22;
	v49 =	vadd.f32 $4.800000000e+02, v43;
	v44 =	vtrunc.f32 v38;
	v24 =	vcvt.f32.s32 v35  }
0x88: {  	[tilespmem:s3+$0x2400] =	vst.msk vm2, v12;
	v53 =	vadd.f32 $4.800000000e+02, v47;
	(erf) = vrcp.f32 v28;
	v12 =	vcvt.f32.s32 v44  }
0x89: {  	[tilespmem:v18+s22+$0x0] =	vst.idx.msk $0xffff, v19;
	v11 =	vmul.f32 $3.000000000e+00, v11;
	v18 =	vadd.f32 $1.500000000e+00, v45;
	v42 =	vadd.s32 $0x40, v24  }
0x8a: {  	vm10 =	vgt.s32 v0, v24;
	v48 =	vadd.s32 $0x40, v12;
	vm11 =	vgt.s32 v42, v1  }
0x8b: {  	[tilespmem:v8+s23+$0x0] =	vst.idx.msk $0xffff, v15;
	vm12 =	vgt.s32 v0, v12;
	vm13 =	vgt.s32 v48, v1;
	vm2 =	vmand vm10, vm11  }
0x8c: {  	[tilespmem:v9+s21+$0x0] =	vst.idx.msk $0xffff, v33;
	v50 =	vadd.f32 v18, v18;
	vm4 =	vmand vm12, vm13;
	v46 =	vmpcnt.ones.xlane vm2  }
0x8d: {  	[tilespmem:v8+s24+$0x0] =	vst.idx.msk $0xffff, v40;
	v52 =	vtrunc.f32 v49;
	v16 =	vsub.f32 v16, v34;
	v51 =	vmpcnt.ones.xlane vm4  }
0x8e: {  	[tilespmem:v17+s23+$0x0] =	vst.idx.msk $0xffff, v39;
	v11 =	vadd.f32 $1.500000000e+00, v11;
	v17 =	vmul.f32 v50, v18;
	(v2sf) =	vpush v46, $0x0  }
0x8f: {  	s4 =	spop (v2sf);
	[tilespmem:s2+$0x2400] =	vst.msk vm1, v8;
	(erf) = vrcp.f32 v62;
	v15 =	vcvt.f32.s32 v52;
	(v2sf) =	vpush v51, $0x0  }
0x90: {  	[tilespmem:v9+s22+$0x0] =	vst.idx.msk $0xffff, v16;
	v54 =	vadd.f32 v11, v11;
	v8 =	vcvt.s32.f32 v12;
	(erf) = vrcp.f32 v17  }
0x91: {  	v56 =	vtrunc.f32 v53;
	[tilespmem:v13+s20+$0x0] =	vst.idx.msk $0xffff, v12  }
0x92: {  	[tilespmem:v13+s21+$0x0] =	vst.idx.msk $0xffff, v15;
	v15 =	vcvt.s32.f32 v15;
	v11 =	vmul.f32 v54, v11;
	v8 =	vsub.f32 v38, v8  }
0x93: {  	[tilespmem:v14+s20+$0x0] =	vst.idx.msk $0xffff, v24;
	v12 =	vcvt.f32.s32 v56  }
0x94: {  	[tilespmem:v13+s22+$0x0] =	vst.idx.msk $0xffff, v8;
	v8 =	vsub.f32 v49, v15;
	v55 =	vpop (erf);
	(erf) = vrcp.f32 v11  }
0x95: {  	s3 =	sadd.s32 s3, s4;
	v59 =	vcvt.s32.f32 v33;
	[tilespmem:v14+s21+$0x0] =	vst.idx.msk $0xffff, v12;
	v57 =	vxor.u32 $0x80000000, v55;
	s9 =	spop (v2sf)  }
0x96: {  	vm3 =	vmmov vm3;
	[tilespmem:v10+s24+$0x0] =	vst.idx.msk $0xffff, v57;
	s2 =	sadd.s32 s3, s9  }
0x97: {  	v58 =	vcvt.s32.f32 v24;
	[tilespmem:s2+$0x2400] =	vst.msk vm3, v10;
	v10 =	vsub.f32 v26, v59  }
0x98: {  	v61 =	vcvt.s32.f32 v12;
	[tilespmem:v13+s23+$0x0] =	vst.idx.msk $0xffff, v8;
	v8 =	vpop (erf)  }
0x99: {  	v60 =	vsub.f32 v30, v58;
	v8 =	vxor.u32 $0x80000000, v8;
	[tilespmem:v9+s23+$0x0] =	vst.idx.msk $0xffff, v10;
	v62 =	vpop (erf)  }
0x9a: {  	v63 =	vsub.f32 v53, v61;
	[tilespmem:v9+s24+$0x0] =	vst.idx.msk $0xffff, v8;
	v8 =	vxor.u32 $0x80000000, v62  }
0x9b: {  	[tilespmem:v14+s22+$0x0] =	vst.idx.msk $0xffff, v60  }
0x9c: {  	vm0 =	vmmov vm15;
	[tilespmem:v14+s23+$0x0] =	vst.idx.msk $0xffff, v63;
	s10 =	spop (v2sf)  }
0x9d: {  	vm0 =	vmmov vm0;
	s2 =	sadd.s32 s2, s10;
	[tilespmem:v13+s24+$0x0] =	vst.idx.msk $0xffff, v8;
	v8 =	vpop (erf);
	s11 =	spop (v2sf)  }
0x9e: {  	vm15 =	vmmov vm2;
	[tilespmem:s3+$0x2400] =	vst.msk vm0, v9;
	v8 =	vxor.u32 $0x80000000, v8;
	s16 =	sadd.s32 s2, s11;
	s25 =	spop (v2sf)  }
0x9f: {  	vm0 =	vmmov vm15;
	[tilespmem:v14+s24+$0x0] =	vst.idx.msk $0xffff, v8;
	s30 =	sadd.s32 s16, s25  }
0xa0: {  	vm14 =	vmmov vm4;
	[tilespmem:s2+$0x2400] =	vst.msk vm0, v14;
	p0 =	slt.s32 s30, $0x1  }
.Ltmp3:
0xa1: {  	s29 =	simm.s32 $0x1;
	[tilespmem:s16+$0x2400] =	vst.msk vm14, v13;
	(pc) =	sbr.rel @!p0 .LBB2_4-.Ltmp3, $4  }
.Ltmp4:
0xa2: {  	_ =	swait.ge [sflag:s29], $0x8000;
	(pc) =	sbr.rel @p0 .LBB2_12-.Ltmp4, $4  }
0xa3: {  	[sflag:s29] =	ssyncset.done $0x0  }
0xa4: {  	[sflag:s29] =	ssyncadd.s32 $0xFFFF8000  }
0xa5: {  	s31 =	simm.s32 $0x0;
	[tilespmem:$0x2900] =	vst v3  }
0xa6: {  	_ = 	snop  }
.LBB2_11:
0xa7: {  	s31 =	sadd.s32 $0x1, s31  }
0xa8: {  	p0 =	sne.s32 s31, s30  }
.Ltmp5:
0xa9: {  	_ = 	snop;
	(pc) =	sbr.rel @!p0 .LBB2_12-.Ltmp5, $1  }
0xaa: {  	_ =	sdelay $0x3  }
.LBB2_4:
0xab: {  	v8 =	vmov s31;
	_ =	sdelay $0x4  }
0xac: {  	v8 =	vld.idx.msk [tilespmem:v8+s26+$0x0], $0xffff;
	_ =	sdelay $0x7  }
0xad: {  	v9 =	vld.idx.msk [tilespmem:v8+s24+$0x0], $0xffff;
	_ =	sdelay $0x4  }
0xae: {  	v10 =	vmul.f32 v4, v9  }
0xaf: {  	v11 =	vmul.f32 v5, v9  }
0xb0: {  	v10 =	vmul.f32 $1.442695020e+00, v10  }
0xb1: {  	v11 =	vmul.f32 $1.442695020e+00, v11  }
0xb2: {  	(erf) = vpow2.f32 v10;
	v10 =	vmul.f32 v6, v9  }
0xb3: {  	v9 =	vmul.f32 v7, v9  }
0xb4: {  	(erf) = vpow2.f32 v11;
	v10 =	vmul.f32 $1.442695020e+00, v10;
	_ =	sdelay $0x1  }
0xb5: {  	v9 =	vmul.f32 $1.442695020e+00, v9;
	(erf) = vpow2.f32 v10;
	_ =	sdelay $0x1  }
0xb6: {  	(erf) = vpow2.f32 v9;
	_ =	sdelay $0x3  }
0xb7: {  	v9 =	vpop (erf)  }
0xb8: {  	v10 =	vpop (erf)  }
0xb9: {  	v11 =	vadd.f32 v10, v9  }
0xba: {  	v12 =	vpop (erf)  }
0xbb: {  	v11 =	vadd.f32 v11, v12  }
0xbc: {  	v13 =	vpop (erf)  }
0xbd: {  	v11 =	vadd.f32 v11, v13;
	_ =	sdelay $0x1  }
0xbe: {  	(xrf2) =	vadd.scan.msk.f32 $0xffff, v11;
	_ =	sdelay $0x5  }
0xbf: {  	v14 =	vld.idx.msk [tilespmem:v8+s23+$0x0], $0xffff  }
0xc0: {  	v11 =	vld.idx.msk [tilespmem:v8+s22+$0x0], $0xffff;
	_ =	sdelay $0x2  }
0xc1: {  	v17 =	vld.idx.msk [tilespmem:v8+s20+$0x0], $0xffff;
	v15, _, _ =	vpop (xrf2)  }
0xc2: {  	v16 =	vsub.f32 v15, v13  }
0xc3: {  	v19 =	vsub.f32 $1.000000000e+00, v14;
	v18 =	vsub.f32 $1.000000000e+00, v11;
	v15 =	vbroadcast v15, $0xF  }
0xc4: {  	v16 =	vbroadcast v16, $0xF  }
0xc5: {  	v20 =	vmul.f32 v15, v18;
	v15 =	vmul.f32 v15, v19  }
0xc6: {  	(v2sf) =	vpush v17, $0x0;
	v21 =	vmul.f32 v16, v11;
	v16 =	vmul.f32 v16, v14;
	_ =	sdelay $0x1  }
0xc7: {  	v15 =	vadd.f32 v16, v15;
	v16 =	vld.idx.msk [tilespmem:v8+s21+$0x0], $0xffff;
	_ =	sdelay $0x3  }
0xc8: {  	v17 =	vadd.f32 v21, v20  }
0xc9: {  	(v2sf) =	vpush v16, $0x0  }
0xca: {  	v15 =	vmul.f32 v15, v17;
	_ =	sdelay $0x1  }
0xcb: {  	(erf) = vrcp.f32 v15  }
0xcc: {  	v8 =	vld.idx.msk [tilespmem:v8+s19+$0x0], $0xffff;
	[tilespmem:$0x2920] =	vst v10  }
0xcd: {  	[tilespmem:$0x2930] =	vst v12  }
0xce: {  	[tilespmem:$0x2910] =	vst v9;
	v63 =	vld [tilespmem:$0x292F]  }
0xcf: {  	v15 =	vld [tilespmem:$0x290F]  }
0xd0: {  	s5 =	spop (v2sf)  }
0xd1: {  	s10 =	smov.u32 s1;
	s3 =	sadd.s32 $0x40, s5  }
0xd2: {  	s2 =	smov.u32 s0;
	p0 =	sgt.s32 s5, s1;
	p1 =	slt.s32 s3, s0;
	v17 =	vld [tilespmem:$0x291F]  }
0xd3: {  	v24 =	vmul.f32 v10, v19;
	s10 =	smov.u32 @p0 s5;
	s2 =	smov.u32 @p1 s3;
	v16 =	vbroadcast v16, $0x0  }
0xd4: {  	s3 =	ssub.s32 s2, s10;
	[tilespmem:$0x2940] =	vst v13;
	v21 =	vmul.f32 v63, v11;
	v22 =	vmul.f32 v15, v14;
	v62 =	vpop (erf)  }
0xd5: {  	s4 =	sshra.s32 s3, $0x1F;
	v23 =	vld [tilespmem:$0x293F];
	v20 =	vmul.f32 v62, v8;
	v8 =	vmul.f32 v9, v19  }
0xd6: {  	s4 =	sshrl.u32 s4, $0x1E;
	v15 =	vmul.f32 v15, v11;
	v9 =	vmul.f32 v9, v18  }
0xd7: {  	s4 =	sadd.s32 s4, s3;
	v25 =	vmul.f32 v17, v14;
	v22 =	vadd.f32 v22, v8;
	v8 =	vmul.f32 v10, v18;
	s6 =	spop (v2sf)  }
0xd8: {  	s4 =	sand.u32 $0xFFFFFFFC, s4;
	v10 =	vmul.f32 v17, v11;
	v9 =	vadd.f32 v15, v9;
	v15 =	vmul.f32 v12, v19;
	s8 =	sadd.s32 $0x10, s6  }
0xd9: {  	v17 =	vmul.f32 v63, v14;
	v12 =	vmul.f32 v12, v18;
	s25 =	sadd.s32 $0x20, s6;
	s29 =	sadd.s32 $0x30, s6;
	s6 =	sadd.s32 s10, s4  }
0xda: {  	v24 =	vadd.f32 v25, v24;
	v14 =	vmul.f32 v23, v14;
	v11 =	vmul.f32 v23, v11;
	p0 =	sge.s32 s10, s6  }
.Ltmp6:
0xdb: {  	v10 =	vadd.f32 v10, v8;
	v8 =	vmul.f32 v13, v19;
	v13 =	vmul.f32 v13, v18;
	(pc) =	sbr.rel @p0 .LBB2_8-.Ltmp6, $4  }
0xdc: {  	v15 =	vadd.f32 v17, v15;
	[tilespmem:$0x2880] =	vst v9;
	v17 =	vadd.f32 v21, v12;
	v12 =	vmul.f32 v20, v24  }
0xdd: {  	v14 =	vadd.f32 v14, v8;
	[tilespmem:$0x2890] =	vst v10;
	v18 =	vadd.f32 v11, v13;
	v11 =	vmul.f32 v20, v22  }
0xde: {  	[tilespmem:$0x28A0] =	vst v17;
	v13 =	vmul.f32 v20, v15;
	v15 =	vadd.s32 v2, v16;
	v8 =	vadd.s32 s8, v2  }
0xdf: {  	v9 =	vadd.s32 s25, v2;
	v10 =	vadd.s32 s29, v2;
	v14 =	vmul.f32 v20, v14;
	[tilespmem:$0x28B0] =	vst v18  }
0xe0: {  	s9 =	ssub.s32 $0x0, s5  }
0xe1: {  	s11 =	sadd.s32 s10, s9  }
0xe2: {  	v16 =	vmov s11  }
0xe3: {  	s25 =	sadd.s32 $0x3, s11  }
0xe4: {  	s29 =	sadd.s32 $0x1, s11;
	v17 =	vmov s25  }
0xe5: {  	v18 =	vmov s29;
	_ =	sdelay $0x1  }
0xe6: {  	s8 =	sshll.u32 s10, $0xA;
	v24 =	vld.idx.msk [tilespmem:v16+s28+$0x0], $0xffff  }
0xe7: {  	s8 =	sadd.s32 s8, s13;
	s11 =	sadd.s32 $0x2, s11  }
0xe8: {  	v22 =	vmov s11;
	s11 =	sadd.s32 s8, s12;
	v23 =	vld.idx.msk [tilespmem:v17+s28+$0x0], $0xffff  }
0xe9: {  	v25 =	vadd.s32 s11, v15;
	s25 =	sadd.s32 $0x400, s11;
	s16 =	sadd.s32 $0xC00, s11;
	v19 =	vadd.s32 s11, v9;
	v26 =	vld.idx.msk [tilespmem:v18+s28+$0x0], $0xffff  }
0xea: {  	v29 =	vadd.s32 s25, v15;
	v27 =	vadd.s32 s16, v15;
	v21 =	vadd.s32 s25, v8  }
0xeb: {  	v20 =	vadd.s32 s25, v9;
	v28 =	vadd.s32 s16, v8;
	v30 =	vmul.f32 v24, v11  }
0xec: {  	v34 =	vadd.s32 s16, v9;
	v18 =	vmul.f32 v24, v12;
	v17 =	vmul.f32 v24, v13  }
0xed: {  	s10 =	sadd.s32 $0x4, s10;
	v37 =	vadd.s32 s16, v10;
	v36 =	vld.idx.msk [tilespmem:v22+s28+$0x0], $0xffff;
	v24 =	vmul.f32 v24, v14;
	v31 =	vmul.f32 v23, v11  }
0xee: {  	p0 =	slt.s32 s10, s6;
	v16 =	vadd.s32 s11, v8;
	v38 =	vmul.f32 v26, v11;
	v32 =	vmul.f32 v23, v12;
	[tilespmem:v25+s15+$0x0] =	vst.idx.add.f32.msk $0xffff, v30  }
.Ltmp7:
0xef: {  	s16 =	sadd.s32 $0x800, s11;
	v22 =	vadd.s32 s25, v10;
	v35 =	vmul.f32 v23, v13;
	v23 =	vmul.f32 v23, v14;
	[tilespmem:v27+s15+$0x0] =	vst.idx.add.f32.msk $0xffff, v31;
	(pc) =	sbr.rel @!p0 .LBB2_7-.Ltmp7, $4  }
0xf0: {  	v33 =	vmul.f32 v26, v14;
	v25 =	vadd.s32 s16, v15;
	v30 =	vmul.f32 v26, v12;
	[tilespmem:v29+s15+$0x0] =	vst.idx.add.f32.msk $0xffff, v38  }
0xf1: {  	v27 =	vadd.s32 s16, v8;
	v31 =	vmul.f32 v26, v13;
	v26 =	vadd.s32 s16, v10;
	[tilespmem:v28+s15+$0x0] =	vst.idx.add.f32.msk $0xffff, v32  }
0xf2: {  	v29 =	vmul.f32 v36, v14;
	v28 =	vadd.s32 s16, v9;
	v32 =	vmul.f32 v36, v11;
	[tilespmem:v34+s15+$0x0] =	vst.idx.add.f32.msk $0xffff, v35  }
0xf3: {  	v35 =	vmul.f32 v36, v12;
	v34 =	vmul.f32 v36, v13;
	[tilespmem:v37+s15+$0x0] =	vst.idx.add.f32.msk $0xffff, v23;
	v23 =	vadd.s32 s11, v10  }
.LBB2_6:
0xf4: {  	s11 =	sadd.s32 s10, s9;
	[tilespmem:v21+s15+$0x0] =	vst.idx.add.f32.msk $0xffff, v30  }
0xf5: {  	v21 =	vmov s11;
	s25 =	sadd.s32 $0x1, s11;
	s29 =	sadd.s32 $0x2, s11;
	s11 =	sadd.s32 $0x3, s11;
	[tilespmem:v20+s15+$0x0] =	vst.idx.add.f32.msk $0xffff, v31  }
0xf6: {  	v20 =	vmov s25;
	v30 =	vmov s29;
	v31 =	vmov s11;
	[tilespmem:v22+s15+$0x0] =	vst.idx.add.f32.msk $0xffff, v33  }
0xf7: {  	s10 =	sadd.s32 $0x4, s10;
	[tilespmem:v25+s15+$0x0] =	vst.idx.add.f32.msk $0xffff, v32  }
0xf8: {  	p0 =	slt.s32 s10, s6;
	[tilespmem:v27+s15+$0x0] =	vst.idx.add.f32.msk $0xffff, v35  }
0xf9: {  	[tilespmem:v28+s15+$0x0] =	vst.idx.add.f32.msk $0xffff, v34  }
0xfa: {  	v36 =	vld.idx.msk [tilespmem:v21+s28+$0x0], $0xffff  }
0xfb: {  	s8 =	sadd.s32 $0x1000, s8;
	v32 =	vld.idx.msk [tilespmem:v31+s28+$0x0], $0xffff  }
0xfc: {  	s11 =	sadd.s32 s8, s12;
	v33 =	vld.idx.msk [tilespmem:v20+s28+$0x0], $0xffff  }
0xfd: {  	v25 =	vadd.s32 s11, v15;
	v37 =	vadd.s32 s11, v9;
	s25 =	sadd.s32 $0x400, s11;
	s29 =	sadd.s32 $0x800, s11;
	s16 =	sadd.s32 $0xC00, s11;
	v27 =	vadd.s32 s11, v8;
	v38 =	vld.idx.msk [tilespmem:v30+s28+$0x0], $0xffff  }
0xfe: {  	v39 =	vadd.s32 s25, v15;
	v28 =	vadd.s32 s16, v15;
	v21 =	vadd.s32 s25, v8;
	[tilespmem:v26+s15+$0x0] =	vst.idx.add.f32.msk $0xffff, v29  }
0xff: {  	v22 =	vadd.s32 s25, v10;
	v20 =	vadd.s32 s25, v9;
	v26 =	vadd.s32 s16, v8;
	[tilespmem:v16+s15+$0x0] =	vst.idx.add.f32.msk $0xffff, v18;
	v16 =	vmovc v27  }
0x100: {  	v29 =	vadd.s32 s16, v9;
	v27 =	vmul.f32 v36, v11;
	v18 =	vmul.f32 v36, v12;
	[tilespmem:v19+s15+$0x0] =	vst.idx.add.f32.msk $0xffff, v17  }
0x101: {  	v40 =	vadd.s32 s16, v10;
	v17 =	vmul.f32 v36, v13;
	v19 =	vmul.f32 v32, v11;
	[tilespmem:v23+s15+$0x0] =	vst.idx.add.f32.msk $0xffff, v24  }
0x102: {  	v41 =	vmul.f32 v33, v11;
	v23 =	vmul.f32 v32, v12;
	[tilespmem:v25+s15+$0x0] =	vst.idx.add.f32.msk $0xffff, v27;
	v25 =	vadd.s32 s29, v15  }
.Ltmp8:
0x103: {  	v30 =	vmul.f32 v33, v12;
	v27 =	vadd.s32 s29, v8;
	[tilespmem:v28+s15+$0x0] =	vst.idx.add.f32.msk $0xffff, v19;
	v19 =	vmul.f32 v32, v13;
	(pc) =	sbr.rel @p0 .LBB2_6-.Ltmp8, $4  }
0x104: {  	v31 =	vmul.f32 v33, v13;
	v24 =	vmul.f32 v32, v14;
	v28 =	vadd.s32 s29, v9;
	[tilespmem:v26+s15+$0x0] =	vst.idx.add.f32.msk $0xffff, v23  }
0x105: {  	v33 =	vmul.f32 v33, v14;
	v32 =	vmul.f32 v38, v11;
	v26 =	vadd.s32 s29, v10;
	[tilespmem:v29+s15+$0x0] =	vst.idx.add.f32.msk $0xffff, v19  }
0x106: {  	v35 =	vmul.f32 v38, v12;
	v34 =	vmul.f32 v38, v13;
	v23 =	vadd.s32 s11, v10;
	[tilespmem:v40+s15+$0x0] =	vst.idx.add.f32.msk $0xffff, v24  }
0x107: {  	v29 =	vmul.f32 v38, v14;
	v24 =	vmul.f32 v36, v14;
	[tilespmem:v39+s15+$0x0] =	vst.idx.add.f32.msk $0xffff, v41;
	v19 =	vmov v37  }
.LBB2_7:
0x108: {  	_ =	sdelay $0x3  }
0x109: {  	[tilespmem:v21+s15+$0x0] =	vst.idx.add.f32.msk $0xffff, v30  }
0x10a: {  	[tilespmem:v25+s15+$0x0] =	vst.idx.add.f32.msk $0xffff, v32  }
0x10b: {  	[tilespmem:v16+s15+$0x0] =	vst.idx.add.f32.msk $0xffff, v18  }
0x10c: {  	[tilespmem:v20+s15+$0x0] =	vst.idx.add.f32.msk $0xffff, v31  }
0x10d: {  	[tilespmem:v27+s15+$0x0] =	vst.idx.add.f32.msk $0xffff, v35  }
0x10e: {  	[tilespmem:v19+s15+$0x0] =	vst.idx.add.f32.msk $0xffff, v17  }
0x10f: {  	[tilespmem:v22+s15+$0x0] =	vst.idx.add.f32.msk $0xffff, v33  }
0x110: {  	[tilespmem:v28+s15+$0x0] =	vst.idx.add.f32.msk $0xffff, v34  }
0x111: {  	[tilespmem:v23+s15+$0x0] =	vst.idx.add.f32.msk $0xffff, v24  }
0x112: {  	[tilespmem:v26+s15+$0x0] =	vst.idx.add.f32.msk $0xffff, v29  }
.LBB2_8:
0x113: {  	p0 =	sge.s32 s6, s2  }
.Ltmp9:
0x114: {  	_ = 	snop;
	(pc) =	sbr.rel @p0 .LBB2_11-.Ltmp9, $1  }
0x115: {  	_ =	sdelay $0x3  }
0x116: {  	s3 =	ssub.s32 s3, s4;
	s29 =	sadd.s32 s2, s14  }
0x117: {  	s4 =	ssub.s32 s29, s3  }
0x118: {  	s2 =	ssub.s32 s2, s5;
	s3 =	ssub.s32 $0x0, s3;
	s4 =	sshll.u32 s4, $0xA  }
.LBB2_10:
0x119: {  	s5 =	sadd.s32 s3, s2  }
0x11a: {  	v16 =	vmov s5;
	_ =	sdelay $0x4  }
0x11b: {  	v16 =	vld.idx.msk [tilespmem:v16+s28+$0x0], $0xffff;
	_ =	sdelay $0x1  }
0x11c: {  	v17 =	vadd.s32 s4, v15  }
0x11d: {  	v18 =	vadd.s32 s4, v8  }
0x11e: {  	v19 =	vadd.s32 s4, v9;
	s3 =	sadd.s32 $0x1, s3  }
0x11f: {  	v21 =	vadd.s32 s4, v10;
	p0 =	seq.s32 s3, $0x0;
	v20 =	vmul.f32 v16, v11  }
.Ltmp10:
0x120: {  	v22 =	vmul.f32 v16, v12;
	(pc) =	sbr.rel @!p0 .LBB2_10-.Ltmp10, $4  }
0x121: {  	[tilespmem:v17+s15+$0x0] =	vst.idx.add.f32.msk $0xffff, v20;
	v17 =	vmul.f32 v16, v13  }
0x122: {  	v16 =	vmul.f32 v16, v14;
	[tilespmem:v18+s15+$0x0] =	vst.idx.add.f32.msk $0xffff, v22  }
0x123: {  	[tilespmem:v19+s15+$0x0] =	vst.idx.add.f32.msk $0xffff, v17  }
0x124: {  	s4 =	sadd.s32 $0x400, s4;
	[tilespmem:v21+s15+$0x0] =	vst.idx.add.f32.msk $0xffff, v16  }
.Ltmp11:
0x125: {  	_ = 	snop;
	(pc) =	sbr.rel .LBB2_11-.Ltmp11, $1  }
0x126: {  	_ =	sdelay $0x3  }
.LBB2_13:
0x127: {  	_ =	sfence.sel $0x180000  }
0x128: {  	[bflag:$0x0] =	sbarrier.arrive $0xFFFF  }
0x129: {  	_ =	strace $0x90000047  }
0x12a: {  	s0 =	stileid.u32;
	[bflag:$0x2] =	sbarrier.arrive $0xFFFF  }
0x12b: {  	p0 =	sne.s32 s0, $0x0;
	s0 =	rddreg [dreg:$0x4]  }
0x12c: {  	s0 =	sadd.s32 @!p0 $0x100000, s0  }
0x12d: {  	[sflag:s0] =	ssyncadd.tile.s32 @!p0 $0x1;
	_ =	shalt  }
.Lfunc_end2:
_tile_overlayer_lowered:
.L_overlay_start_2:
0x12e: {  	(tag) =	ssettag $0x2  }
0x12f: {  	s0 =	rddreg [dreg:$0x0];
	s2 =	stileid.u32  }
0x130: {  	s1 =	rddreg [dreg:$0x1];
	p0 =	sne.s32 s2, $0x0  }
0x131: {  	s3 =	rddreg [dreg:$0x2];
	[bflag:$0x3] =	sbarrier.arrive $0xFFFF;
	s2 =	simm.s32 @!p0 $0x1C02  }
0x132: {  	[timem:s3], [sflag:s2] =	dma.local @!p0 [hbm:s0], s1  }
0x133: {  	s0 =	simm.s32 @!p0 $0x2  }
0x134: {  	_ =	swait.ge @!p0 [sflag:s0], s1  }
0x135: {  	s1 =	ssub.s32 @!p0 $0x0, s1;
	[sflag:s0] =	ssyncset.done @!p0 $0x0  }
0x136: {  	[sflag:s0] =	ssyncadd.s32 @!p0 s1  }
0x137: {  	[bflag:$0x3] =	sbarrier.arrive $0xFFFF  }
0x138: {  	_ =	shalt  }

</sc_bundles>
